<compile_context>
chip_gen: v7x
topology: tpu7x:2x2x1
jax: 0.10.2.dev20260603
libtpu: 0.0.44.dev20260713+nightly
codegen_flags: <defaults>
</compile_context>

<pallas_src>
import functools

import jax
import jax.numpy as jnp
from jax import lax
from jax.experimental import pallas as pl
from jax.experimental.pallas import tpu as pltpu
from jax.experimental.pallas import tpu_sc as plsc

N = 32 * 512 * 512
KEEP = N // 2
ROWS, COLS = 512, 16384
NW = 32
ROWS_PER_TILE = ROWS // NW
SHIFT = 17
NBINS = 16384
LANES = 16


def _loss_body(x_ref, t_ref, o_ref):
    x = x_ref[...]
    t = t_ref[...]
    o_ref[...] = jnp.maximum(x, 0.0) - x * t + jnp.log1p(jnp.exp(-jnp.abs(x)))


def _compute_loss(x2, t2):
    blk = 32
    return pl.pallas_call(
        _loss_body,
        out_shape=jax.ShapeDtypeStruct((ROWS, COLS), jnp.float32),
        grid=(ROWS // blk,),
        in_specs=[pl.BlockSpec((blk, COLS), lambda i: (i, 0)),
                  pl.BlockSpec((blk, COLS), lambda i: (i, 0))],
        out_specs=pl.BlockSpec((blk, COLS), lambda i: (i, 0)),
    )(x2, t2)


def _hist_body(loss_hbm, cnt_hbm, sum_hbm,
               cnt0, sum0, cnt1, sum1, buf0, buf1, sem0, sem1):
    wid = lax.axis_index("s") * 2 + lax.axis_index("c")
    base_row = wid * ROWS_PER_TILE

    zero_i = jnp.zeros((LANES,), jnp.int32)
    zero_f = jnp.zeros((LANES,), jnp.float32)

    def zero_body(i, c):
        sl = pl.ds(i * LANES, LANES)
        cnt0[sl] = zero_i
        cnt1[sl] = zero_i
        sum0[sl] = zero_f
        sum1[sl] = zero_f
        return c

    lax.fori_loop(0, NBINS // LANES, zero_body, 0, unroll=8)

    ones_i = jnp.ones((LANES,), jnp.int32)
    cap = jnp.full((LANES,), NBINS - 1, jnp.int32)

    def process(buf):
        def vreg_body(i, c2):
            o = i * (4 * LANES)
            for q, (cv, sv) in enumerate(
                    ((cnt0, sum0), (cnt1, sum1), (cnt0, sum0), (cnt1, sum1))):
                v = buf[pl.ds(o + q * LANES, LANES)]
                bits = plsc.bitcast(v, jnp.int32)
                hi = jnp.minimum(lax.shift_right_logical(bits, SHIFT), cap)
                plsc.addupdate_scatter(cv, [hi], ones_i)
                plsc.addupdate_scatter(sv, [hi], v)
            return c2

        lax.fori_loop(0, COLS // (4 * LANES), vreg_body, 0, unroll=2)

    pltpu.async_copy(loss_hbm.at[base_row], buf0, sem0)
    pltpu.async_copy(loss_hbm.at[base_row + 1], buf1, sem1)

    def outer(g, c):
        row = g * 2
        pltpu.make_async_copy(loss_hbm.at[base_row], buf0, sem0).wait()
        process(buf0)
        nxt0 = jnp.minimum(row + 2, ROWS_PER_TILE - 2)
        pltpu.async_copy(loss_hbm.at[base_row + nxt0], buf0, sem0)
        pltpu.make_async_copy(loss_hbm.at[base_row], buf1, sem1).wait()
        process(buf1)
        nxt1 = jnp.minimum(row + 3, ROWS_PER_TILE - 1)
        pltpu.async_copy(loss_hbm.at[base_row + nxt1], buf1, sem1)
        return c

    lax.fori_loop(0, ROWS_PER_TILE // 2, outer, 0)
    pltpu.make_async_copy(loss_hbm.at[base_row], buf0, sem0).wait()
    pltpu.make_async_copy(loss_hbm.at[base_row], buf1, sem1).wait()

    def merge_body(i, c):
        sl = pl.ds(i * LANES, LANES)
        cnt0[sl] = cnt0[sl] + cnt1[sl]
        sum0[sl] = sum0[sl] + sum1[sl]
        return c

    lax.fori_loop(0, NBINS // LANES, merge_body, 0, unroll=8)

    pltpu.sync_copy(cnt0, cnt_hbm.at[wid])
    pltpu.sync_copy(sum0, sum_hbm.at[wid])


def _histogram(loss2d):
    mesh = plsc.VectorSubcoreMesh(core_axis_name="c", subcore_axis_name="s")
    fn = pl.kernel(
        _hist_body,
        out_type=[jax.ShapeDtypeStruct((NW, NBINS), jnp.int32),
                  jax.ShapeDtypeStruct((NW, NBINS), jnp.float32)],
        mesh=mesh,
        scratch_types=[pltpu.VMEM((NBINS,), jnp.int32),
                       pltpu.VMEM((NBINS,), jnp.float32),
                       pltpu.VMEM((NBINS,), jnp.int32),
                       pltpu.VMEM((NBINS,), jnp.float32),
                       pltpu.VMEM((COLS,), jnp.float32),
                       pltpu.VMEM((COLS,), jnp.float32),
                       pltpu.SemaphoreType.DMA,
                       pltpu.SemaphoreType.DMA],
        compiler_params=pltpu.CompilerParams(needs_layout_passes=False),
    )
    return fn(loss2d)


_HR, _HC = NBINS // 128, 128


def _shift_down_lanes(s, sh):
    pad = jnp.zeros((_HR, sh), s.dtype)
    return jnp.concatenate([s[:, sh:], pad], axis=1)


def _shift_down_rows(s, sh):
    pad = jnp.zeros((sh, _HC), s.dtype)
    return jnp.concatenate([s[sh:, :], pad], axis=0)


def _select_body(cnt_ref, sum_ref, out_ref):
    cnt = jnp.sum(cnt_ref[...], axis=0)
    sm = jnp.sum(sum_ref[...], axis=0)

    s = cnt
    sh = 1
    while sh < _HC:
        s = s + _shift_down_lanes(s, sh)
        sh *= 2
    rowtot = jnp.broadcast_to(s[:, 0:1], (_HR, _HC))
    r = rowtot
    sh = 1
    while sh < _HR:
        r = r + _shift_down_rows(r, sh)
        sh *= 2
    a = s + r - rowtot

    iota_i = lax.broadcasted_iota(jnp.int32, (_HR, _HC), 0)
    iota_j = lax.broadcasted_iota(jnp.int32, (_HR, _HC), 1)
    bidx = iota_i * _HC + iota_j

    t_bin = jnp.max(jnp.where(a >= KEEP, bidx, -1))

    above = bidx > t_bin
    at_t = bidx == t_bin
    c_above = jnp.sum(jnp.where(above, cnt, 0))
    sum_above = jnp.sum(jnp.where(above, sm, 0.0))
    cnt_t = jnp.sum(jnp.where(at_t, cnt, 0))
    sum_t = jnp.sum(jnp.where(at_t, sm, 0.0))

    need = (KEEP - c_above).astype(jnp.float32)
    mean_t = sum_t / cnt_t.astype(jnp.float32)
    total = sum_above + need * mean_t
    out_ref[...] = jnp.broadcast_to(total / float(KEEP), (1, 1))


def _select(cnt, sums):
    return pl.pallas_call(
        _select_body,
        out_shape=jax.ShapeDtypeStruct((1, 1), jnp.float32),
    )(cnt.reshape(NW, _HR, _HC), sums.reshape(NW, _HR, _HC))


def kernel(logits, targets):
    x2 = logits.reshape(ROWS, COLS)
    t2 = targets.reshape(ROWS, COLS)
    loss2d = _compute_loss(x2, t2)
    cnt, sums = _histogram(loss2d)
    out = _select(cnt, sums)
    return out[0, 0]

# --- scband reference (transcript-rebuilt; emitter-appended) ---
"""Pipeline reference for scband-ohembceloss-24103356465209 (READ-ONLY COPY).

The authoritative reference and input builder live on the scoring server;
editing this copy changes nothing except your own understanding.
"""

import jax, jax.numpy as jnp
import numpy as np

ALPHA = 0.5

def _bce_with_logits(x, t):
    # numerically-stable BCEWithLogits, reduction='none'
    return jnp.maximum(x, 0.0) - x * t + jnp.log1p(jnp.exp(-jnp.abs(x)))

def setup_inputs(seed: int = 0) -> dict:
    key = jax.random.key(seed)
    k1, k2 = jax.random.split(key)
    logits = jax.random.normal(k1, (32, 1, 512, 512), dtype=jnp.float32)
    targets = jax.random.uniform(k2, (32, 1, 512, 512), dtype=jnp.float32)
    return {"logits": logits, "targets": targets}

def reference(logits, targets):
    loss = _bce_with_logits(logits, targets).reshape(-1)
    # torch.sort(loss, descending=True) -> sorted_loss, idx
    idx = jnp.argsort(-loss)
    n = loss.shape[0]
    keep_num = int(n * ALPHA + 0.5)
    keep_idx = idx[:keep_num]
    return loss[keep_idx].mean()

if __name__ == "__main__":
    import jax
    _d = setup_inputs()
    print(jax.jit(kernel)(*tuple(_d.values())))

</pallas_src>

<mosaic_0001>
#map = affine_map<(d0, d1) -> (0, 0)>
module attributes {stable_mosaic.version = 14 : i64} {
  func.func @_hist_body(%arg0: i32, %arg1: i32, %arg2: memref<512x16384xf32, #tpu.memory_space<hbm>>, %arg3: memref<32x16384xi32, #tpu.memory_space<hbm>>, %arg4: memref<32x16384xf32, #tpu.memory_space<hbm>>, %arg5: memref<16384xi32, #tpu.memory_space<vmem>>, %arg6: memref<16384xf32, #tpu.memory_space<vmem>>, %arg7: memref<16384xi32, #tpu.memory_space<vmem>>, %arg8: memref<16384xf32, #tpu.memory_space<vmem>>, %arg9: memref<16384xf32, #tpu.memory_space<vmem>>, %arg10: memref<16384xf32, #tpu.memory_space<vmem>>, %arg11: memref<!tpu.dma_semaphore, #tpu.memory_space<semaphore_mem>>, %arg12: memref<!tpu.dma_semaphore, #tpu.memory_space<semaphore_mem>>) attributes {dimension_semantics = [#tpu.dimension_semantics<core_parallel>, #tpu.dimension_semantics<subcore_parallel>], iteration_bounds = array<i64: 2, 16>, scalar_prefetch = 0 : i64, scratch_operands = 8 : i64, tpu.core_type = #tpu.core_type<sc_vector_subcore>, window_params = [{transform_indices = #map}, {transform_indices = #map}, {transform_indices = #map}]} {
    %mul3A = arith.constant 2 : i32
    %mul3A_0 = arith.muli %arg1, %mul3A : i32
    %add3A = arith.addi %mul3A_0, %arg0 : i32
    %mul3A_1 = arith.constant 16 : i32
    %mul3A_2 = arith.muli %add3A, %mul3A_1 : i32
    %broadcast_in_dim3A = arith.constant 0 : i32
    %broadcast_in_dim3A_3 = vector.broadcast %broadcast_in_dim3A : i32 to vector<16xi32>
    %broadcast_in_dim3A_4 = arith.constant 0.000000e+00 : f32
    %broadcast_in_dim3A_5 = vector.broadcast %broadcast_in_dim3A_4 : f32 to vector<16xf32>
    %scan3A = arith.constant 0 : i32
    %scan3A_6 = arith.constant 0 : i32
    %scan3A_7 = arith.constant 1024 : i32
    %scan3A_8 = arith.addi %scan3A_6, %scan3A_7 : i32
    %scan3A_9 = arith.constant 8 : i32
    scf.for %scan3A_51 = %scan3A_6 to %scan3A_8 step %scan3A_9  : i32 {
      %mul3A_52 = arith.constant 16 : i32
      %mul3A_53 = arith.muli %scan3A_51, %mul3A_52 : i32
      %swap3A = arith.index_cast %mul3A_53 : i32 to index
      %swap3A_54 = tpu.vector_load %arg5[%swap3A] {strides = array<i32>} : memref<16384xi32, #tpu.memory_space<vmem>>, vector<16xi32>,
      tpu.vector_store %arg5[%swap3A], %broadcast_in_dim3A_3 {strides = array<i32>} : memref<16384xi32, #tpu.memory_space<vmem>>, vector<16xi32>,
      %swap3A_55 = arith.index_cast %mul3A_53 : i32 to index
      %swap3A_56 = tpu.vector_load %arg7[%swap3A_55] {strides = array<i32>} : memref<16384xi32, #tpu.memory_space<vmem>>, vector<16xi32>,
      tpu.vector_store %arg7[%swap3A_55], %broadcast_in_dim3A_3 {strides = array<i32>} : memref<16384xi32, #tpu.memory_space<vmem>>, vector<16xi32>,
      %swap3A_57 = arith.index_cast %mul3A_53 : i32 to index
      %swap3A_58 = tpu.vector_load %arg6[%swap3A_57] {strides = array<i32>} : memref<16384xf32, #tpu.memory_space<vmem>>, vector<16xf32>,
      tpu.vector_store %arg6[%swap3A_57], %broadcast_in_dim3A_5 {strides = array<i32>} : memref<16384xf32, #tpu.memory_space<vmem>>, vector<16xf32>,
      %swap3A_59 = arith.index_cast %mul3A_53 : i32 to index
      %swap3A_60 = tpu.vector_load %arg8[%swap3A_59] {strides = array<i32>} : memref<16384xf32, #tpu.memory_space<vmem>>, vector<16xf32>,
      tpu.vector_store %arg8[%swap3A_59], %broadcast_in_dim3A_5 {strides = array<i32>} : memref<16384xf32, #tpu.memory_space<vmem>>, vector<16xf32>,
      %scan3A_61 = arith.constant 1 : i32
      %scan3A_62 = arith.addi %scan3A_51, %scan3A_61 : i32
      %mul3A_63 = arith.constant 16 : i32
      %mul3A_64 = arith.muli %scan3A_62, %mul3A_63 : i32
      %swap3A_65 = arith.index_cast %mul3A_64 : i32 to index
      %swap3A_66 = tpu.vector_load %arg5[%swap3A_65] {strides = array<i32>} : memref<16384xi32, #tpu.memory_space<vmem>>, vector<16xi32>,
      tpu.vector_store %arg5[%swap3A_65], %broadcast_in_dim3A_3 {strides = array<i32>} : memref<16384xi32, #tpu.memory_space<vmem>>, vector<16xi32>,
      %swap3A_67 = arith.index_cast %mul3A_64 : i32 to index
      %swap3A_68 = tpu.vector_load %arg7[%swap3A_67] {strides = array<i32>} : memref<16384xi32, #tpu.memory_space<vmem>>, vector<16xi32>,
      tpu.vector_store %arg7[%swap3A_67], %broadcast_in_dim3A_3 {strides = array<i32>} : memref<16384xi32, #tpu.memory_space<vmem>>, vector<16xi32>,
      %swap3A_69 = arith.index_cast %mul3A_64 : i32 to index
      %swap3A_70 = tpu.vector_load %arg6[%swap3A_69] {strides = array<i32>} : memref<16384xf32, #tpu.memory_space<vmem>>, vector<16xf32>,
      tpu.vector_store %arg6[%swap3A_69], %broadcast_in_dim3A_5 {strides = array<i32>} : memref<16384xf32, #tpu.memory_space<vmem>>, vector<16xf32>,
      %swap3A_71 = arith.index_cast %mul3A_64 : i32 to index
      %swap3A_72 = tpu.vector_load %arg8[%swap3A_71] {strides = array<i32>} : memref<16384xf32, #tpu.memory_space<vmem>>, vector<16xf32>,
      tpu.vector_store %arg8[%swap3A_71], %broadcast_in_dim3A_5 {strides = array<i32>} : memref<16384xf32, #tpu.memory_space<vmem>>, vector<16xf32>,
      %scan3A_73 = arith.constant 2 : i32
      %scan3A_74 = arith.addi %scan3A_51, %scan3A_73 : i32
      %mul3A_75 = arith.constant 16 : i32
      %mul3A_76 = arith.muli %scan3A_74, %mul3A_75 : i32
      %swap3A_77 = arith.index_cast %mul3A_76 : i32 to index
      %swap3A_78 = tpu.vector_load %arg5[%swap3A_77] {strides = array<i32>} : memref<16384xi32, #tpu.memory_space<vmem>>, vector<16xi32>,
      tpu.vector_store %arg5[%swap3A_77], %broadcast_in_dim3A_3 {strides = array<i32>} : memref<16384xi32, #tpu.memory_space<vmem>>, vector<16xi32>,
      %swap3A_79 = arith.index_cast %mul3A_76 : i32 to index
      %swap3A_80 = tpu.vector_load %arg7[%swap3A_79] {strides = array<i32>} : memref<16384xi32, #tpu.memory_space<vmem>>, vector<16xi32>,
      tpu.vector_store %arg7[%swap3A_79], %broadcast_in_dim3A_3 {strides = array<i32>} : memref<16384xi32, #tpu.memory_space<vmem>>, vector<16xi32>,
      %swap3A_81 = arith.index_cast %mul3A_76 : i32 to index
      %swap3A_82 = tpu.vector_load %arg6[%swap3A_81] {strides = array<i32>} : memref<16384xf32, #tpu.memory_space<vmem>>, vector<16xf32>,
      tpu.vector_store %arg6[%swap3A_81], %broadcast_in_dim3A_5 {strides = array<i32>} : memref<16384xf32, #tpu.memory_space<vmem>>, vector<16xf32>,
      %swap3A_83 = arith.index_cast %mul3A_76 : i32 to index
      %swap3A_84 = tpu.vector_load %arg8[%swap3A_83] {strides = array<i32>} : memref<16384xf32, #tpu.memory_space<vmem>>, vector<16xf32>,
      tpu.vector_store %arg8[%swap3A_83], %broadcast_in_dim3A_5 {strides = array<i32>} : memref<16384xf32, #tpu.memory_space<vmem>>, vector<16xf32>,
      %scan3A_85 = arith.constant 3 : i32
      %scan3A_86 = arith.addi %scan3A_51, %scan3A_85 : i32
      %mul3A_87 = arith.constant 16 : i32
      %mul3A_88 = arith.muli %scan3A_86, %mul3A_87 : i32
      %swap3A_89 = arith.index_cast %mul3A_88 : i32 to index
      %swap3A_90 = tpu.vector_load %arg5[%swap3A_89] {strides = array<i32>} : memref<16384xi32, #tpu.memory_space<vmem>>, vector<16xi32>,
      tpu.vector_store %arg5[%swap3A_89], %broadcast_in_dim3A_3 {strides = array<i32>} : memref<16384xi32, #tpu.memory_space<vmem>>, vector<16xi32>,
      %swap3A_91 = arith.index_cast %mul3A_88 : i32 to index
      %swap3A_92 = tpu.vector_load %arg7[%swap3A_91] {strides = array<i32>} : memref<16384xi32, #tpu.memory_space<vmem>>, vector<16xi32>,
      tpu.vector_store %arg7[%swap3A_91], %broadcast_in_dim3A_3 {strides = array<i32>} : memref<16384xi32, #tpu.memory_space<vmem>>, vector<16xi32>,
      %swap3A_93 = arith.index_cast %mul3A_88 : i32 to index
      %swap3A_94 = tpu.vector_load %arg6[%swap3A_93] {strides = array<i32>} : memref<16384xf32, #tpu.memory_space<vmem>>, vector<16xf32>,
      tpu.vector_store %arg6[%swap3A_93], %broadcast_in_dim3A_5 {strides = array<i32>} : memref<16384xf32, #tpu.memory_space<vmem>>, vector<16xf32>,
      %swap3A_95 = arith.index_cast %mul3A_88 : i32 to index
      %swap3A_96 = tpu.vector_load %arg8[%swap3A_95] {strides = array<i32>} : memref<16384xf32, #tpu.memory_space<vmem>>, vector<16xf32>,
      tpu.vector_store %arg8[%swap3A_95], %broadcast_in_dim3A_5 {strides = array<i32>} : memref<16384xf32, #tpu.memory_space<vmem>>, vector<16xf32>,
      %scan3A_97 = arith.constant 4 : i32
      %scan3A_98 = arith.addi %scan3A_51, %scan3A_97 : i32
      %mul3A_99 = arith.constant 16 : i32
      %mul3A_100 = arith.muli %scan3A_98, %mul3A_99 : i32
      %swap3A_101 = arith.index_cast %mul3A_100 : i32 to index
      %swap3A_102 = tpu.vector_load %arg5[%swap3A_101] {strides = array<i32>} : memref<16384xi32, #tpu.memory_space<vmem>>, vector<16xi32>,
      tpu.vector_store %arg5[%swap3A_101], %broadcast_in_dim3A_3 {strides = array<i32>} : memref<16384xi32, #tpu.memory_space<vmem>>, vector<16xi32>,
      %swap3A_103 = arith.index_cast %mul3A_100 : i32 to index
      %swap3A_104 = tpu.vector_load %arg7[%swap3A_103] {strides = array<i32>} : memref<16384xi32, #tpu.memory_space<vmem>>, vector<16xi32>,
      tpu.vector_store %arg7[%swap3A_103], %broadcast_in_dim3A_3 {strides = array<i32>} : memref<16384xi32, #tpu.memory_space<vmem>>, vector<16xi32>,
      %swap3A_105 = arith.index_cast %mul3A_100 : i32 to index
      %swap3A_106 = tpu.vector_load %arg6[%swap3A_105] {strides = array<i32>} : memref<16384xf32, #tpu.memory_space<vmem>>, vector<16xf32>,
      tpu.vector_store %arg6[%swap3A_105], %broadcast_in_dim3A_5 {strides = array<i32>} : memref<16384xf32, #tpu.memory_space<vmem>>, vector<16xf32>,
      %swap3A_107 = arith.index_cast %mul3A_100 : i32 to index
      %swap3A_108 = tpu.vector_load %arg8[%swap3A_107] {strides = array<i32>} : memref<16384xf32, #tpu.memory_space<vmem>>, vector<16xf32>,
      tpu.vector_store %arg8[%swap3A_107], %broadcast_in_dim3A_5 {strides = array<i32>} : memref<16384xf32, #tpu.memory_space<vmem>>, vector<16xf32>,
      %scan3A_109 = arith.constant 5 : i32
      %scan3A_110 = arith.addi %scan3A_51, %scan3A_109 : i32
      %mul3A_111 = arith.constant 16 : i32
      %mul3A_112 = arith.muli %scan3A_110, %mul3A_111 : i32
      %swap3A_113 = arith.index_cast %mul3A_112 : i32 to index
      %swap3A_114 = tpu.vector_load %arg5[%swap3A_113] {strides = array<i32>} : memref<16384xi32, #tpu.memory_space<vmem>>, vector<16xi32>,
      tpu.vector_store %arg5[%swap3A_113], %broadcast_in_dim3A_3 {strides = array<i32>} : memref<16384xi32, #tpu.memory_space<vmem>>, vector<16xi32>,
      %swap3A_115 = arith.index_cast %mul3A_112 : i32 to index
      %swap3A_116 = tpu.vector_load %arg7[%swap3A_115] {strides = array<i32>} : memref<16384xi32, #tpu.memory_space<vmem>>, vector<16xi32>,
      tpu.vector_store %arg7[%swap3A_115], %broadcast_in_dim3A_3 {strides = array<i32>} : memref<16384xi32, #tpu.memory_space<vmem>>, vector<16xi32>,
      %swap3A_117 = arith.index_cast %mul3A_112 : i32 to index
      %swap3A_118 = tpu.vector_load %arg6[%swap3A_117] {strides = array<i32>} : memref<16384xf32, #tpu.memory_space<vmem>>, vector<16xf32>,
      tpu.vector_store %arg6[%swap3A_117], %broadcast_in_dim3A_5 {strides = array<i32>} : memref<16384xf32, #tpu.memory_space<vmem>>, vector<16xf32>,
      %swap3A_119 = arith.index_cast %mul3A_112 : i32 to index
      %swap3A_120 = tpu.vector_load %arg8[%swap3A_119] {strides = array<i32>} : memref<16384xf32, #tpu.memory_space<vmem>>, vector<16xf32>,
      tpu.vector_store %arg8[%swap3A_119], %broadcast_in_dim3A_5 {strides = array<i32>} : memref<16384xf32, #tpu.memory_space<vmem>>, vector<16xf32>,
      %scan3A_121 = arith.constant 6 : i32
      %scan3A_122 = arith.addi %scan3A_51, %scan3A_121 : i32
      %mul3A_123 = arith.constant 16 : i32
      %mul3A_124 = arith.muli %scan3A_122, %mul3A_123 : i32
      %swap3A_125 = arith.index_cast %mul3A_124 : i32 to index
      %swap3A_126 = tpu.vector_load %arg5[%swap3A_125] {strides = array<i32>} : memref<16384xi32, #tpu.memory_space<vmem>>, vector<16xi32>,
      tpu.vector_store %arg5[%swap3A_125], %broadcast_in_dim3A_3 {strides = array<i32>} : memref<16384xi32, #tpu.memory_space<vmem>>, vector<16xi32>,
      %swap3A_127 = arith.index_cast %mul3A_124 : i32 to index
      %swap3A_128 = tpu.vector_load %arg7[%swap3A_127] {strides = array<i32>} : memref<16384xi32, #tpu.memory_space<vmem>>, vector<16xi32>,
      tpu.vector_store %arg7[%swap3A_127], %broadcast_in_dim3A_3 {strides = array<i32>} : memref<16384xi32, #tpu.memory_space<vmem>>, vector<16xi32>,
      %swap3A_129 = arith.index_cast %mul3A_124 : i32 to index
      %swap3A_130 = tpu.vector_load %arg6[%swap3A_129] {strides = array<i32>} : memref<16384xf32, #tpu.memory_space<vmem>>, vector<16xf32>,
      tpu.vector_store %arg6[%swap3A_129], %broadcast_in_dim3A_5 {strides = array<i32>} : memref<16384xf32, #tpu.memory_space<vmem>>, vector<16xf32>,
      %swap3A_131 = arith.index_cast %mul3A_124 : i32 to index
      %swap3A_132 = tpu.vector_load %arg8[%swap3A_131] {strides = array<i32>} : memref<16384xf32, #tpu.memory_space<vmem>>, vector<16xf32>,
      tpu.vector_store %arg8[%swap3A_131], %broadcast_in_dim3A_5 {strides = array<i32>} : memref<16384xf32, #tpu.memory_space<vmem>>, vector<16xf32>,
      %scan3A_133 = arith.constant 7 : i32
      %scan3A_134 = arith.addi %scan3A_51, %scan3A_133 : i32
      %mul3A_135 = arith.constant 16 : i32
      %mul3A_136 = arith.muli %scan3A_134, %mul3A_135 : i32
      %swap3A_137 = arith.index_cast %mul3A_136 : i32 to index
      %swap3A_138 = tpu.vector_load %arg5[%swap3A_137] {strides = array<i32>} : memref<16384xi32, #tpu.memory_space<vmem>>, vector<16xi32>,
      tpu.vector_store %arg5[%swap3A_137], %broadcast_in_dim3A_3 {strides = array<i32>} : memref<16384xi32, #tpu.memory_space<vmem>>, vector<16xi32>,
      %swap3A_139 = arith.index_cast %mul3A_136 : i32 to index
      %swap3A_140 = tpu.vector_load %arg7[%swap3A_139] {strides = array<i32>} : memref<16384xi32, #tpu.memory_space<vmem>>, vector<16xi32>,
      tpu.vector_store %arg7[%swap3A_139], %broadcast_in_dim3A_3 {strides = array<i32>} : memref<16384xi32, #tpu.memory_space<vmem>>, vector<16xi32>,
      %swap3A_141 = arith.index_cast %mul3A_136 : i32 to index
      %swap3A_142 = tpu.vector_load %arg6[%swap3A_141] {strides = array<i32>} : memref<16384xf32, #tpu.memory_space<vmem>>, vector<16xf32>,
      tpu.vector_store %arg6[%swap3A_141], %broadcast_in_dim3A_5 {strides = array<i32>} : memref<16384xf32, #tpu.memory_space<vmem>>, vector<16xf32>,
      %swap3A_143 = arith.index_cast %mul3A_136 : i32 to index
      %swap3A_144 = tpu.vector_load %arg8[%swap3A_143] {strides = array<i32>} : memref<16384xf32, #tpu.memory_space<vmem>>, vector<16xf32>,
      tpu.vector_store %arg8[%swap3A_143], %broadcast_in_dim3A_5 {strides = array<i32>} : memref<16384xf32, #tpu.memory_space<vmem>>, vector<16xf32>,
    }
    %scan3A_10 = arith.constant 1024 : i32
    %broadcast_in_dim3A_11 = arith.constant 1 : i32
    %broadcast_in_dim3A_12 = vector.broadcast %broadcast_in_dim3A_11 : i32 to vector<16xi32>
    %broadcast_in_dim3A_13 = arith.constant 16383 : i32
    %broadcast_in_dim3A_14 = vector.broadcast %broadcast_in_dim3A_13 : i32 to vector<16xi32>
    %dma_start3A = arith.constant 0 : i32
    %dma_start3A_15 = tpu.memref_slice %arg2[%mul3A_2, %dma_start3A] : memref<512x16384xf32, #tpu.memory_space<hbm>> -> memref<1x16384xf32, #tpu.memory_space<hbm>>
    %dma_start3A_16 = tpu.memref_squeeze %dma_start3A_15 : memref<1x16384xf32, #tpu.memory_space<hbm>> -> memref<16384xf32, #tpu.memory_space<hbm>>
    %dma_start3A_17 = arith.constant 0 : i32
    %dma_start3A_18 = tpu.memref_slice %arg2[%mul3A_2, %dma_start3A_17] : memref<512x16384xf32, #tpu.memory_space<hbm>> -> memref<1x16384xf32, #tpu.memory_space<hbm>>
    %dma_start3A_19 = tpu.memref_squeeze %dma_start3A_18 : memref<1x16384xf32, #tpu.memory_space<hbm>> -> memref<16384xf32, #tpu.memory_space<hbm>>
    tpu.enqueue_dma source(%dma_start3A_19 : memref<16384xf32, #tpu.memory_space<hbm>>) target(%arg9 : memref<16384xf32, #tpu.memory_space<vmem>>) target_semaphore(%arg11 : memref<!tpu.dma_semaphore, #tpu.memory_space<semaphore_mem>>)
    %add3A_20 = arith.constant 1 : i32
    %add3A_21 = arith.addi %mul3A_2, %add3A_20 : i32
    %dma_start3A_22 = arith.constant 0 : i32
    %dma_start3A_23 = tpu.memref_slice %arg2[%add3A_21, %dma_start3A_22] : memref<512x16384xf32, #tpu.memory_space<hbm>> -> memref<1x16384xf32, #tpu.memory_space<hbm>>
    %dma_start3A_24 = tpu.memref_squeeze %dma_start3A_23 : memref<1x16384xf32, #tpu.memory_space<hbm>> -> memref<16384xf32, #tpu.memory_space<hbm>>
    %dma_start3A_25 = arith.constant 0 : i32
    %dma_start3A_26 = tpu.memref_slice %arg2[%add3A_21, %dma_start3A_25] : memref<512x16384xf32, #tpu.memory_space<hbm>> -> memref<1x16384xf32, #tpu.memory_space<hbm>>
    %dma_start3A_27 = tpu.memref_squeeze %dma_start3A_26 : memref<1x16384xf32, #tpu.memory_space<hbm>> -> memref<16384xf32, #tpu.memory_space<hbm>>
    tpu.enqueue_dma source(%dma_start3A_27 : memref<16384xf32, #tpu.memory_space<hbm>>) target(%arg10 : memref<16384xf32, #tpu.memory_space<vmem>>) target_semaphore(%arg12 : memref<!tpu.dma_semaphore, #tpu.memory_space<semaphore_mem>>)
    %scan3A_28 = arith.constant 0 : i32
    %scan3A_29 = arith.constant 0 : i32
    %scan3A_30 = arith.constant 8 : i32
    %scan3A_31 = arith.addi %scan3A_29, %scan3A_30 : i32
    %scan3A_32 = arith.constant 1 : i32
    scf.for %scan3A_51 = %scan3A_29 to %scan3A_31 step %scan3A_32  : i32 {
      %mul3A_52 = arith.constant 2 : i32
      %mul3A_53 = arith.muli %scan3A_51, %mul3A_52 : i32
      %dma_wait3A_54 = arith.constant 0 : i32
      %dma_wait3A_55 = tpu.memref_slice %arg2[%mul3A_2, %dma_wait3A_54] : memref<512x16384xf32, #tpu.memory_space<hbm>> -> memref<1x16384xf32, #tpu.memory_space<hbm>>
      %dma_wait3A_56 = tpu.memref_squeeze %dma_wait3A_55 : memref<1x16384xf32, #tpu.memory_space<hbm>> -> memref<16384xf32, #tpu.memory_space<hbm>>
      %dma_wait3A_57 = arith.constant 0 : i32
      %dma_wait3A_58 = tpu.memref_slice %arg2[%mul3A_2, %dma_wait3A_57] : memref<512x16384xf32, #tpu.memory_space<hbm>> -> memref<1x16384xf32, #tpu.memory_space<hbm>>
      %dma_wait3A_59 = tpu.memref_squeeze %dma_wait3A_58 : memref<1x16384xf32, #tpu.memory_space<hbm>> -> memref<16384xf32, #tpu.memory_space<hbm>>
      tpu.wait_dma2 semaphore(%arg11 : memref<!tpu.dma_semaphore, #tpu.memory_space<semaphore_mem>>) src(%dma_wait3A_59 : memref<16384xf32, #tpu.memory_space<hbm>>) dst(%arg9 : memref<16384xf32, #tpu.memory_space<vmem>>)
      %scan3A_60 = arith.constant 0 : i32
      %scan3A_61 = arith.constant 0 : i32
      %scan3A_62 = arith.constant 256 : i32
      %scan3A_63 = arith.addi %scan3A_61, %scan3A_62 : i32
      %scan3A_64 = arith.constant 2 : i32
      scf.for %scan3A_99 = %scan3A_61 to %scan3A_63 step %scan3A_64  : i32 {
        %mul3A_100 = arith.constant 64 : i32
        %mul3A_101 = arith.muli %scan3A_99, %mul3A_100 : i32
        %add3A_102 = arith.constant 0 : i32
        %add3A_103 = arith.addi %mul3A_101, %add3A_102 : i32
        %get3A = arith.index_cast %add3A_103 : i32 to index
        %get3A_104 = tpu.vector_load %arg9[%get3A] {strides = array<i32>} : memref<16384xf32, #tpu.memory_space<vmem>>, vector<16xf32>,
        %bitcast3A = vector.bitcast %get3A_104 : vector<16xf32> to vector<16xi32>
        %shift_right_logical3A = arith.constant 17 : i32
        %shift_right_logical3A_105 = vector.broadcast %shift_right_logical3A : i32 to vector<16xi32>
        %shift_right_logical3A_106 = arith.shrui %bitcast3A, %shift_right_logical3A_105 : vector<16xi32>
        %min3A_107 = arith.minsi %shift_right_logical3A_106, %broadcast_in_dim3A_14 : vector<16xi32>
        tpu.vector_store_idx %arg5[%min3A_107], %broadcast_in_dim3A_12 {add = true} : memref<16384xi32, #tpu.memory_space<vmem>>[vector<16xi32>], vector<16xi32>,
        tpu.vector_store_idx %arg6[%min3A_107], %get3A_104 {add = true} : memref<16384xf32, #tpu.memory_space<vmem>>[vector<16xi32>], vector<16xf32>,
        %add3A_108 = arith.constant 16 : i32
        %add3A_109 = arith.addi %mul3A_101, %add3A_108 : i32
        %get3A_110 = arith.index_cast %add3A_109 : i32 to index
        %get3A_111 = tpu.vector_load %arg9[%get3A_110] {strides = array<i32>} : memref<16384xf32, #tpu.memory_space<vmem>>, vector<16xf32>,
        %bitcast3A_112 = vector.bitcast %get3A_111 : vector<16xf32> to vector<16xi32>
        %shift_right_logical3A_113 = arith.constant 17 : i32
        %shift_right_logical3A_114 = vector.broadcast %shift_right_logical3A_113 : i32 to vector<16xi32>
        %shift_right_logical3A_115 = arith.shrui %bitcast3A_112, %shift_right_logical3A_114 : vector<16xi32>
        %min3A_116 = arith.minsi %shift_right_logical3A_115, %broadcast_in_dim3A_14 : vector<16xi32>
        tpu.vector_store_idx %arg7[%min3A_116], %broadcast_in_dim3A_12 {add = true} : memref<16384xi32, #tpu.memory_space<vmem>>[vector<16xi32>], vector<16xi32>,
        tpu.vector_store_idx %arg8[%min3A_116], %get3A_111 {add = true} : memref<16384xf32, #tpu.memory_space<vmem>>[vector<16xi32>], vector<16xf32>,
        %add3A_117 = arith.constant 32 : i32
        %add3A_118 = arith.addi %mul3A_101, %add3A_117 : i32
        %get3A_119 = arith.index_cast %add3A_118 : i32 to index
        %get3A_120 = tpu.vector_load %arg9[%get3A_119] {strides = array<i32>} : memref<16384xf32, #tpu.memory_space<vmem>>, vector<16xf32>,
        %bitcast3A_121 = vector.bitcast %get3A_120 : vector<16xf32> to vector<16xi32>
        %shift_right_logical3A_122 = arith.constant 17 : i32
        %shift_right_logical3A_123 = vector.broadcast %shift_right_logical3A_122 : i32 to vector<16xi32>
        %shift_right_logical3A_124 = arith.shrui %bitcast3A_121, %shift_right_logical3A_123 : vector<16xi32>
        %min3A_125 = arith.minsi %shift_right_logical3A_124, %broadcast_in_dim3A_14 : vector<16xi32>
        tpu.vector_store_idx %arg5[%min3A_125], %broadcast_in_dim3A_12 {add = true} : memref<16384xi32, #tpu.memory_space<vmem>>[vector<16xi32>], vector<16xi32>,
        tpu.vector_store_idx %arg6[%min3A_125], %get3A_120 {add = true} : memref<16384xf32, #tpu.memory_space<vmem>>[vector<16xi32>], vector<16xf32>,
        %add3A_126 = arith.constant 48 : i32
        %add3A_127 = arith.addi %mul3A_101, %add3A_126 : i32
        %get3A_128 = arith.index_cast %add3A_127 : i32 to index
        %get3A_129 = tpu.vector_load %arg9[%get3A_128] {strides = array<i32>} : memref<16384xf32, #tpu.memory_space<vmem>>, vector<16xf32>,
        %bitcast3A_130 = vector.bitcast %get3A_129 : vector<16xf32> to vector<16xi32>
        %shift_right_logical3A_131 = arith.constant 17 : i32
        %shift_right_logical3A_132 = vector.broadcast %shift_right_logical3A_131 : i32 to vector<16xi32>
        %shift_right_logical3A_133 = arith.shrui %bitcast3A_130, %shift_right_logical3A_132 : vector<16xi32>
        %min3A_134 = arith.minsi %shift_right_logical3A_133, %broadcast_in_dim3A_14 : vector<16xi32>
        tpu.vector_store_idx %arg7[%min3A_134], %broadcast_in_dim3A_12 {add = true} : memref<16384xi32, #tpu.memory_space<vmem>>[vector<16xi32>], vector<16xi32>,
        tpu.vector_store_idx %arg8[%min3A_134], %get3A_129 {add = true} : memref<16384xf32, #tpu.memory_space<vmem>>[vector<16xi32>], vector<16xf32>,
        %scan3A_135 = arith.constant 1 : i32
        %scan3A_136 = arith.addi %scan3A_99, %scan3A_135 : i32
        %mul3A_137 = arith.constant 64 : i32
        %mul3A_138 = arith.muli %scan3A_136, %mul3A_137 : i32
        %add3A_139 = arith.constant 0 : i32
        %add3A_140 = arith.addi %mul3A_138, %add3A_139 : i32
        %get3A_141 = arith.index_cast %add3A_140 : i32 to index
        %get3A_142 = tpu.vector_load %arg9[%get3A_141] {strides = array<i32>} : memref<16384xf32, #tpu.memory_space<vmem>>, vector<16xf32>,
        %bitcast3A_143 = vector.bitcast %get3A_142 : vector<16xf32> to vector<16xi32>
        %shift_right_logical3A_144 = arith.constant 17 : i32
        %shift_right_logical3A_145 = vector.broadcast %shift_right_logical3A_144 : i32 to vector<16xi32>
        %shift_right_logical3A_146 = arith.shrui %bitcast3A_143, %shift_right_logical3A_145 : vector<16xi32>
        %min3A_147 = arith.minsi %shift_right_logical3A_146, %broadcast_in_dim3A_14 : vector<16xi32>
        tpu.vector_store_idx %arg5[%min3A_147], %broadcast_in_dim3A_12 {add = true} : memref<16384xi32, #tpu.memory_space<vmem>>[vector<16xi32>], vector<16xi32>,
        tpu.vector_store_idx %arg6[%min3A_147], %get3A_142 {add = true} : memref<16384xf32, #tpu.memory_space<vmem>>[vector<16xi32>], vector<16xf32>,
        %add3A_148 = arith.constant 16 : i32
        %add3A_149 = arith.addi %mul3A_138, %add3A_148 : i32
        %get3A_150 = arith.index_cast %add3A_149 : i32 to index
        %get3A_151 = tpu.vector_load %arg9[%get3A_150] {strides = array<i32>} : memref<16384xf32, #tpu.memory_space<vmem>>, vector<16xf32>,
        %bitcast3A_152 = vector.bitcast %get3A_151 : vector<16xf32> to vector<16xi32>
        %shift_right_logical3A_153 = arith.constant 17 : i32
        %shift_right_logical3A_154 = vector.broadcast %shift_right_logical3A_153 : i32 to vector<16xi32>
        %shift_right_logical3A_155 = arith.shrui %bitcast3A_152, %shift_right_logical3A_154 : vector<16xi32>
        %min3A_156 = arith.minsi %shift_right_logical3A_155, %broadcast_in_dim3A_14 : vector<16xi32>
        tpu.vector_store_idx %arg7[%min3A_156], %broadcast_in_dim3A_12 {add = true} : memref<16384xi32, #tpu.memory_space<vmem>>[vector<16xi32>], vector<16xi32>,
        tpu.vector_store_idx %arg8[%min3A_156], %get3A_151 {add = true} : memref<16384xf32, #tpu.memory_space<vmem>>[vector<16xi32>], vector<16xf32>,
        %add3A_157 = arith.constant 32 : i32
        %add3A_158 = arith.addi %mul3A_138, %add3A_157 : i32
        %get3A_159 = arith.index_cast %add3A_158 : i32 to index
        %get3A_160 = tpu.vector_load %arg9[%get3A_159] {strides = array<i32>} : memref<16384xf32, #tpu.memory_space<vmem>>, vector<16xf32>,
        %bitcast3A_161 = vector.bitcast %get3A_160 : vector<16xf32> to vector<16xi32>
        %shift_right_logical3A_162 = arith.constant 17 : i32
        %shift_right_logical3A_163 = vector.broadcast %shift_right_logical3A_162 : i32 to vector<16xi32>
        %shift_right_logical3A_164 = arith.shrui %bitcast3A_161, %shift_right_logical3A_163 : vector<16xi32>
        %min3A_165 = arith.minsi %shift_right_logical3A_164, %broadcast_in_dim3A_14 : vector<16xi32>
        tpu.vector_store_idx %arg5[%min3A_165], %broadcast_in_dim3A_12 {add = true} : memref<16384xi32, #tpu.memory_space<vmem>>[vector<16xi32>], vector<16xi32>,
        tpu.vector_store_idx %arg6[%min3A_165], %get3A_160 {add = true} : memref<16384xf32, #tpu.memory_space<vmem>>[vector<16xi32>], vector<16xf32>,
        %add3A_166 = arith.constant 48 : i32
        %add3A_167 = arith.addi %mul3A_138, %add3A_166 : i32
        %get3A_168 = arith.index_cast %add3A_167 : i32 to index
        %get3A_169 = tpu.vector_load %arg9[%get3A_168] {strides = array<i32>} : memref<16384xf32, #tpu.memory_space<vmem>>, vector<16xf32>,
        %bitcast3A_170 = vector.bitcast %get3A_169 : vector<16xf32> to vector<16xi32>
        %shift_right_logical3A_171 = arith.constant 17 : i32
        %shift_right_logical3A_172 = vector.broadcast %shift_right_logical3A_171 : i32 to vector<16xi32>
        %shift_right_logical3A_173 = arith.shrui %bitcast3A_170, %shift_right_logical3A_172 : vector<16xi32>
        %min3A_174 = arith.minsi %shift_right_logical3A_173, %broadcast_in_dim3A_14 : vector<16xi32>
        tpu.vector_store_idx %arg7[%min3A_174], %broadcast_in_dim3A_12 {add = true} : memref<16384xi32, #tpu.memory_space<vmem>>[vector<16xi32>], vector<16xi32>,
        tpu.vector_store_idx %arg8[%min3A_174], %get3A_169 {add = true} : memref<16384xf32, #tpu.memory_space<vmem>>[vector<16xi32>], vector<16xf32>,
      }
      %scan3A_65 = arith.constant 256 : i32
      %add3A_66 = arith.constant 2 : i32
      %add3A_67 = arith.addi %mul3A_53, %add3A_66 : i32
      %min3A = arith.constant 14 : i32
      %min3A_68 = arith.minsi %add3A_67, %min3A : i32
      %add3A_69 = arith.addi %mul3A_2, %min3A_68 : i32
      %dma_start3A_70 = arith.constant 0 : i32
      %dma_start3A_71 = tpu.memref_slice %arg2[%add3A_69, %dma_start3A_70] : memref<512x16384xf32, #tpu.memory_space<hbm>> -> memref<1x16384xf32, #tpu.memory_space<hbm>>
      %dma_start3A_72 = tpu.memref_squeeze %dma_start3A_71 : memref<1x16384xf32, #tpu.memory_space<hbm>> -> memref<16384xf32, #tpu.memory_space<hbm>>
      %dma_start3A_73 = arith.constant 0 : i32
      %dma_start3A_74 = tpu.memref_slice %arg2[%add3A_69, %dma_start3A_73] : memref<512x16384xf32, #tpu.memory_space<hbm>> -> memref<1x16384xf32, #tpu.memory_space<hbm>>
      %dma_start3A_75 = tpu.memref_squeeze %dma_start3A_74 : memref<1x16384xf32, #tpu.memory_space<hbm>> -> memref<16384xf32, #tpu.memory_space<hbm>>
      tpu.enqueue_dma source(%dma_start3A_75 : memref<16384xf32, #tpu.memory_space<hbm>>) target(%arg9 : memref<16384xf32, #tpu.memory_space<vmem>>) target_semaphore(%arg11 : memref<!tpu.dma_semaphore, #tpu.memory_space<semaphore_mem>>)
      %dma_wait3A_76 = arith.constant 0 : i32
      %dma_wait3A_77 = tpu.memref_slice %arg2[%mul3A_2, %dma_wait3A_76] : memref<512x16384xf32, #tpu.memory_space<hbm>> -> memref<1x16384xf32, #tpu.memory_space<hbm>>
      %dma_wait3A_78 = tpu.memref_squeeze %dma_wait3A_77 : memref<1x16384xf32, #tpu.memory_space<hbm>> -> memref<16384xf32, #tpu.memory_space<hbm>>
      %dma_wait3A_79 = arith.constant 0 : i32
      %dma_wait3A_80 = tpu.memref_slice %arg2[%mul3A_2, %dma_wait3A_79] : memref<512x16384xf32, #tpu.memory_space<hbm>> -> memref<1x16384xf32, #tpu.memory_space<hbm>>
      %dma_wait3A_81 = tpu.memref_squeeze %dma_wait3A_80 : memref<1x16384xf32, #tpu.memory_space<hbm>> -> memref<16384xf32, #tpu.memory_space<hbm>>
      tpu.wait_dma2 semaphore(%arg12 : memref<!tpu.dma_semaphore, #tpu.memory_space<semaphore_mem>>) src(%dma_wait3A_81 : memref<16384xf32, #tpu.memory_space<hbm>>) dst(%arg10 : memref<16384xf32, #tpu.memory_space<vmem>>)
      %scan3A_82 = arith.constant 0 : i32
      %scan3A_83 = arith.constant 0 : i32
      %scan3A_84 = arith.constant 256 : i32
      %scan3A_85 = arith.addi %scan3A_83, %scan3A_84 : i32
      %scan3A_86 = arith.constant 2 : i32
      scf.for %scan3A_99 = %scan3A_83 to %scan3A_85 step %scan3A_86  : i32 {
        %mul3A_100 = arith.constant 64 : i32
        %mul3A_101 = arith.muli %scan3A_99, %mul3A_100 : i32
        %add3A_102 = arith.constant 0 : i32
        %add3A_103 = arith.addi %mul3A_101, %add3A_102 : i32
        %get3A = arith.index_cast %add3A_103 : i32 to index
        %get3A_104 = tpu.vector_load %arg10[%get3A] {strides = array<i32>} : memref<16384xf32, #tpu.memory_space<vmem>>, vector<16xf32>,
        %bitcast3A = vector.bitcast %get3A_104 : vector<16xf32> to vector<16xi32>
        %shift_right_logical3A = arith.constant 17 : i32
        %shift_right_logical3A_105 = vector.broadcast %shift_right_logical3A : i32 to vector<16xi32>
        %shift_right_logical3A_106 = arith.shrui %bitcast3A, %shift_right_logical3A_105 : vector<16xi32>
        %min3A_107 = arith.minsi %shift_right_logical3A_106, %broadcast_in_dim3A_14 : vector<16xi32>
        tpu.vector_store_idx %arg5[%min3A_107], %broadcast_in_dim3A_12 {add = true} : memref<16384xi32, #tpu.memory_space<vmem>>[vector<16xi32>], vector<16xi32>,
        tpu.vector_store_idx %arg6[%min3A_107], %get3A_104 {add = true} : memref<16384xf32, #tpu.memory_space<vmem>>[vector<16xi32>], vector<16xf32>,
        %add3A_108 = arith.constant 16 : i32
        %add3A_109 = arith.addi %mul3A_101, %add3A_108 : i32
        %get3A_110 = arith.index_cast %add3A_109 : i32 to index
        %get3A_111 = tpu.vector_load %arg10[%get3A_110] {strides = array<i32>} : memref<16384xf32, #tpu.memory_space<vmem>>, vector<16xf32>,
        %bitcast3A_112 = vector.bitcast %get3A_111 : vector<16xf32> to vector<16xi32>
        %shift_right_logical3A_113 = arith.constant 17 : i32
        %shift_right_logical3A_114 = vector.broadcast %shift_right_logical3A_113 : i32 to vector<16xi32>
        %shift_right_logical3A_115 = arith.shrui %bitcast3A_112, %shift_right_logical3A_114 : vector<16xi32>
        %min3A_116 = arith.minsi %shift_right_logical3A_115, %broadcast_in_dim3A_14 : vector<16xi32>
        tpu.vector_store_idx %arg7[%min3A_116], %broadcast_in_dim3A_12 {add = true} : memref<16384xi32, #tpu.memory_space<vmem>>[vector<16xi32>], vector<16xi32>,
        tpu.vector_store_idx %arg8[%min3A_116], %get3A_111 {add = true} : memref<16384xf32, #tpu.memory_space<vmem>>[vector<16xi32>], vector<16xf32>,
        %add3A_117 = arith.constant 32 : i32
        %add3A_118 = arith.addi %mul3A_101, %add3A_117 : i32
        %get3A_119 = arith.index_cast %add3A_118 : i32 to index
        %get3A_120 = tpu.vector_load %arg10[%get3A_119] {strides = array<i32>} : memref<16384xf32, #tpu.memory_space<vmem>>, vector<16xf32>,
        %bitcast3A_121 = vector.bitcast %get3A_120 : vector<16xf32> to vector<16xi32>
        %shift_right_logical3A_122 = arith.constant 17 : i32
        %shift_right_logical3A_123 = vector.broadcast %shift_right_logical3A_122 : i32 to vector<16xi32>
        %shift_right_logical3A_124 = arith.shrui %bitcast3A_121, %shift_right_logical3A_123 : vector<16xi32>
        %min3A_125 = arith.minsi %shift_right_logical3A_124, %broadcast_in_dim3A_14 : vector<16xi32>
        tpu.vector_store_idx %arg5[%min3A_125], %broadcast_in_dim3A_12 {add = true} : memref<16384xi32, #tpu.memory_space<vmem>>[vector<16xi32>], vector<16xi32>,
        tpu.vector_store_idx %arg6[%min3A_125], %get3A_120 {add = true} : memref<16384xf32, #tpu.memory_space<vmem>>[vector<16xi32>], vector<16xf32>,
        %add3A_126 = arith.constant 48 : i32
        %add3A_127 = arith.addi %mul3A_101, %add3A_126 : i32
        %get3A_128 = arith.index_cast %add3A_127 : i32 to index
        %get3A_129 = tpu.vector_load %arg10[%get3A_128] {strides = array<i32>} : memref<16384xf32, #tpu.memory_space<vmem>>, vector<16xf32>,
        %bitcast3A_130 = vector.bitcast %get3A_129 : vector<16xf32> to vector<16xi32>
        %shift_right_logical3A_131 = arith.constant 17 : i32
        %shift_right_logical3A_132 = vector.broadcast %shift_right_logical3A_131 : i32 to vector<16xi32>
        %shift_right_logical3A_133 = arith.shrui %bitcast3A_130, %shift_right_logical3A_132 : vector<16xi32>
        %min3A_134 = arith.minsi %shift_right_logical3A_133, %broadcast_in_dim3A_14 : vector<16xi32>
        tpu.vector_store_idx %arg7[%min3A_134], %broadcast_in_dim3A_12 {add = true} : memref<16384xi32, #tpu.memory_space<vmem>>[vector<16xi32>], vector<16xi32>,
        tpu.vector_store_idx %arg8[%min3A_134], %get3A_129 {add = true} : memref<16384xf32, #tpu.memory_space<vmem>>[vector<16xi32>], vector<16xf32>,
        %scan3A_135 = arith.constant 1 : i32
        %scan3A_136 = arith.addi %scan3A_99, %scan3A_135 : i32
        %mul3A_137 = arith.constant 64 : i32
        %mul3A_138 = arith.muli %scan3A_136, %mul3A_137 : i32
        %add3A_139 = arith.constant 0 : i32
        %add3A_140 = arith.addi %mul3A_138, %add3A_139 : i32
        %get3A_141 = arith.index_cast %add3A_140 : i32 to index
        %get3A_142 = tpu.vector_load %arg10[%get3A_141] {strides = array<i32>} : memref<16384xf32, #tpu.memory_space<vmem>>, vector<16xf32>,
        %bitcast3A_143 = vector.bitcast %get3A_142 : vector<16xf32> to vector<16xi32>
        %shift_right_logical3A_144 = arith.constant 17 : i32
        %shift_right_logical3A_145 = vector.broadcast %shift_right_logical3A_144 : i32 to vector<16xi32>
        %shift_right_logical3A_146 = arith.shrui %bitcast3A_143, %shift_right_logical3A_145 : vector<16xi32>
        %min3A_147 = arith.minsi %shift_right_logical3A_146, %broadcast_in_dim3A_14 : vector<16xi32>
        tpu.vector_store_idx %arg5[%min3A_147], %broadcast_in_dim3A_12 {add = true} : memref<16384xi32, #tpu.memory_space<vmem>>[vector<16xi32>], vector<16xi32>,
        tpu.vector_store_idx %arg6[%min3A_147], %get3A_142 {add = true} : memref<16384xf32, #tpu.memory_space<vmem>>[vector<16xi32>], vector<16xf32>,
        %add3A_148 = arith.constant 16 : i32
        %add3A_149 = arith.addi %mul3A_138, %add3A_148 : i32
        %get3A_150 = arith.index_cast %add3A_149 : i32 to index
        %get3A_151 = tpu.vector_load %arg10[%get3A_150] {strides = array<i32>} : memref<16384xf32, #tpu.memory_space<vmem>>, vector<16xf32>,
        %bitcast3A_152 = vector.bitcast %get3A_151 : vector<16xf32> to vector<16xi32>
        %shift_right_logical3A_153 = arith.constant 17 : i32
        %shift_right_logical3A_154 = vector.broadcast %shift_right_logical3A_153 : i32 to vector<16xi32>
        %shift_right_logical3A_155 = arith.shrui %bitcast3A_152, %shift_right_logical3A_154 : vector<16xi32>
        %min3A_156 = arith.minsi %shift_right_logical3A_155, %broadcast_in_dim3A_14 : vector<16xi32>
        tpu.vector_store_idx %arg7[%min3A_156], %broadcast_in_dim3A_12 {add = true} : memref<16384xi32, #tpu.memory_space<vmem>>[vector<16xi32>], vector<16xi32>,
        tpu.vector_store_idx %arg8[%min3A_156], %get3A_151 {add = true} : memref<16384xf32, #tpu.memory_space<vmem>>[vector<16xi32>], vector<16xf32>,
        %add3A_157 = arith.constant 32 : i32
        %add3A_158 = arith.addi %mul3A_138, %add3A_157 : i32
        %get3A_159 = arith.index_cast %add3A_158 : i32 to index
        %get3A_160 = tpu.vector_load %arg10[%get3A_159] {strides = array<i32>} : memref<16384xf32, #tpu.memory_space<vmem>>, vector<16xf32>,
        %bitcast3A_161 = vector.bitcast %get3A_160 : vector<16xf32> to vector<16xi32>
        %shift_right_logical3A_162 = arith.constant 17 : i32
        %shift_right_logical3A_163 = vector.broadcast %shift_right_logical3A_162 : i32 to vector<16xi32>
        %shift_right_logical3A_164 = arith.shrui %bitcast3A_161, %shift_right_logical3A_163 : vector<16xi32>
        %min3A_165 = arith.minsi %shift_right_logical3A_164, %broadcast_in_dim3A_14 : vector<16xi32>
        tpu.vector_store_idx %arg5[%min3A_165], %broadcast_in_dim3A_12 {add = true} : memref<16384xi32, #tpu.memory_space<vmem>>[vector<16xi32>], vector<16xi32>,
        tpu.vector_store_idx %arg6[%min3A_165], %get3A_160 {add = true} : memref<16384xf32, #tpu.memory_space<vmem>>[vector<16xi32>], vector<16xf32>,
        %add3A_166 = arith.constant 48 : i32
        %add3A_167 = arith.addi %mul3A_138, %add3A_166 : i32
        %get3A_168 = arith.index_cast %add3A_167 : i32 to index
        %get3A_169 = tpu.vector_load %arg10[%get3A_168] {strides = array<i32>} : memref<16384xf32, #tpu.memory_space<vmem>>, vector<16xf32>,
        %bitcast3A_170 = vector.bitcast %get3A_169 : vector<16xf32> to vector<16xi32>
        %shift_right_logical3A_171 = arith.constant 17 : i32
        %shift_right_logical3A_172 = vector.broadcast %shift_right_logical3A_171 : i32 to vector<16xi32>
        %shift_right_logical3A_173 = arith.shrui %bitcast3A_170, %shift_right_logical3A_172 : vector<16xi32>
        %min3A_174 = arith.minsi %shift_right_logical3A_173, %broadcast_in_dim3A_14 : vector<16xi32>
        tpu.vector_store_idx %arg7[%min3A_174], %broadcast_in_dim3A_12 {add = true} : memref<16384xi32, #tpu.memory_space<vmem>>[vector<16xi32>], vector<16xi32>,
        tpu.vector_store_idx %arg8[%min3A_174], %get3A_169 {add = true} : memref<16384xf32, #tpu.memory_space<vmem>>[vector<16xi32>], vector<16xf32>,
      }
      %scan3A_87 = arith.constant 256 : i32
      %add3A_88 = arith.constant 3 : i32
      %add3A_89 = arith.addi %mul3A_53, %add3A_88 : i32
      %min3A_90 = arith.constant 15 : i32
      %min3A_91 = arith.minsi %add3A_89, %min3A_90 : i32
      %add3A_92 = arith.addi %mul3A_2, %min3A_91 : i32
      %dma_start3A_93 = arith.constant 0 : i32
      %dma_start3A_94 = tpu.memref_slice %arg2[%add3A_92, %dma_start3A_93] : memref<512x16384xf32, #tpu.memory_space<hbm>> -> memref<1x16384xf32, #tpu.memory_space<hbm>>
      %dma_start3A_95 = tpu.memref_squeeze %dma_start3A_94 : memref<1x16384xf32, #tpu.memory_space<hbm>> -> memref<16384xf32, #tpu.memory_space<hbm>>
      %dma_start3A_96 = arith.constant 0 : i32
      %dma_start3A_97 = tpu.memref_slice %arg2[%add3A_92, %dma_start3A_96] : memref<512x16384xf32, #tpu.memory_space<hbm>> -> memref<1x16384xf32, #tpu.memory_space<hbm>>
      %dma_start3A_98 = tpu.memref_squeeze %dma_start3A_97 : memref<1x16384xf32, #tpu.memory_space<hbm>> -> memref<16384xf32, #tpu.memory_space<hbm>>
      tpu.enqueue_dma source(%dma_start3A_98 : memref<16384xf32, #tpu.memory_space<hbm>>) target(%arg10 : memref<16384xf32, #tpu.memory_space<vmem>>) target_semaphore(%arg12 : memref<!tpu.dma_semaphore, #tpu.memory_space<semaphore_mem>>)
    }
    %scan3A_33 = arith.constant 8 : i32
    %dma_wait3A = arith.constant 0 : i32
    %dma_wait3A_34 = tpu.memref_slice %arg2[%mul3A_2, %dma_wait3A] : memref<512x16384xf32, #tpu.memory_space<hbm>> -> memref<1x16384xf32, #tpu.memory_space<hbm>>
    %dma_wait3A_35 = tpu.memref_squeeze %dma_wait3A_34 : memref<1x16384xf32, #tpu.memory_space<hbm>> -> memref<16384xf32, #tpu.memory_space<hbm>>
    %dma_wait3A_36 = arith.constant 0 : i32
    %dma_wait3A_37 = tpu.memref_slice %arg2[%mul3A_2, %dma_wait3A_36] : memref<512x16384xf32, #tpu.memory_space<hbm>> -> memref<1x16384xf32, #tpu.memory_space<hbm>>
    %dma_wait3A_38 = tpu.memref_squeeze %dma_wait3A_37 : memref<1x16384xf32, #tpu.memory_space<hbm>> -> memref<16384xf32, #tpu.memory_space<hbm>>
    tpu.wait_dma2 semaphore(%arg11 : memref<!tpu.dma_semaphore, #tpu.memory_space<semaphore_mem>>) src(%dma_wait3A_38 : memref<16384xf32, #tpu.memory_space<hbm>>) dst(%arg9 : memref<16384xf32, #tpu.memory_space<vmem>>)
    %dma_wait3A_39 = arith.constant 0 : i32
    %dma_wait3A_40 = tpu.memref_slice %arg2[%mul3A_2, %dma_wait3A_39] : memref<512x16384xf32, #tpu.memory_space<hbm>> -> memref<1x16384xf32, #tpu.memory_space<hbm>>
    %dma_wait3A_41 = tpu.memref_squeeze %dma_wait3A_40 : memref<1x16384xf32, #tpu.memory_space<hbm>> -> memref<16384xf32, #tpu.memory_space<hbm>>
    %dma_wait3A_42 = arith.constant 0 : i32
    %dma_wait3A_43 = tpu.memref_slice %arg2[%mul3A_2, %dma_wait3A_42] : memref<512x16384xf32, #tpu.memory_space<hbm>> -> memref<1x16384xf32, #tpu.memory_space<hbm>>
    %dma_wait3A_44 = tpu.memref_squeeze %dma_wait3A_43 : memref<1x16384xf32, #tpu.memory_space<hbm>> -> memref<16384xf32, #tpu.memory_space<hbm>>
    tpu.wait_dma2 semaphore(%arg12 : memref<!tpu.dma_semaphore, #tpu.memory_space<semaphore_mem>>) src(%dma_wait3A_44 : memref<16384xf32, #tpu.memory_space<hbm>>) dst(%arg10 : memref<16384xf32, #tpu.memory_space<vmem>>)
    %scan3A_45 = arith.constant 0 : i32
    %scan3A_46 = arith.constant 0 : i32
    %scan3A_47 = arith.constant 1024 : i32
    %scan3A_48 = arith.addi %scan3A_46, %scan3A_47 : i32
    %scan3A_49 = arith.constant 8 : i32
    scf.for %scan3A_51 = %scan3A_46 to %scan3A_48 step %scan3A_49  : i32 {
      %mul3A_52 = arith.constant 16 : i32
      %mul3A_53 = arith.muli %scan3A_51, %mul3A_52 : i32
      %get3A = arith.index_cast %mul3A_53 : i32 to index
      %get3A_54 = tpu.vector_load %arg5[%get3A] {strides = array<i32>} : memref<16384xi32, #tpu.memory_space<vmem>>, vector<16xi32>,
      %get3A_55 = arith.index_cast %mul3A_53 : i32 to index
      %get3A_56 = tpu.vector_load %arg7[%get3A_55] {strides = array<i32>} : memref<16384xi32, #tpu.memory_space<vmem>>, vector<16xi32>,
      %add3A_57 = arith.addi %get3A_54, %get3A_56 : vector<16xi32>
      %swap3A = arith.index_cast %mul3A_53 : i32 to index
      %swap3A_58 = tpu.vector_load %arg5[%swap3A] {strides = array<i32>} : memref<16384xi32, #tpu.memory_space<vmem>>, vector<16xi32>,
      tpu.vector_store %arg5[%swap3A], %add3A_57 {strides = array<i32>} : memref<16384xi32, #tpu.memory_space<vmem>>, vector<16xi32>,
      %get3A_59 = arith.index_cast %mul3A_53 : i32 to index
      %get3A_60 = tpu.vector_load %arg6[%get3A_59] {strides = array<i32>} : memref<16384xf32, #tpu.memory_space<vmem>>, vector<16xf32>,
      %get3A_61 = arith.index_cast %mul3A_53 : i32 to index
      %get3A_62 = tpu.vector_load %arg8[%get3A_61] {strides = array<i32>} : memref<16384xf32, #tpu.memory_space<vmem>>, vector<16xf32>,
      %add3A_63 = arith.addf %get3A_60, %get3A_62 : vector<16xf32>
      %swap3A_64 = arith.index_cast %mul3A_53 : i32 to index
      %swap3A_65 = tpu.vector_load %arg6[%swap3A_64] {strides = array<i32>} : memref<16384xf32, #tpu.memory_space<vmem>>, vector<16xf32>,
      tpu.vector_store %arg6[%swap3A_64], %add3A_63 {strides = array<i32>} : memref<16384xf32, #tpu.memory_space<vmem>>, vector<16xf32>,
      %scan3A_66 = arith.constant 1 : i32
      %scan3A_67 = arith.addi %scan3A_51, %scan3A_66 : i32
      %mul3A_68 = arith.constant 16 : i32
      %mul3A_69 = arith.muli %scan3A_67, %mul3A_68 : i32
      %get3A_70 = arith.index_cast %mul3A_69 : i32 to index
      %get3A_71 = tpu.vector_load %arg5[%get3A_70] {strides = array<i32>} : memref<16384xi32, #tpu.memory_space<vmem>>, vector<16xi32>,
      %get3A_72 = arith.index_cast %mul3A_69 : i32 to index
      %get3A_73 = tpu.vector_load %arg7[%get3A_72] {strides = array<i32>} : memref<16384xi32, #tpu.memory_space<vmem>>, vector<16xi32>,
      %add3A_74 = arith.addi %get3A_71, %get3A_73 : vector<16xi32>
      %swap3A_75 = arith.index_cast %mul3A_69 : i32 to index
      %swap3A_76 = tpu.vector_load %arg5[%swap3A_75] {strides = array<i32>} : memref<16384xi32, #tpu.memory_space<vmem>>, vector<16xi32>,
      tpu.vector_store %arg5[%swap3A_75], %add3A_74 {strides = array<i32>} : memref<16384xi32, #tpu.memory_space<vmem>>, vector<16xi32>,
      %get3A_77 = arith.index_cast %mul3A_69 : i32 to index
      %get3A_78 = tpu.vector_load %arg6[%get3A_77] {strides = array<i32>} : memref<16384xf32, #tpu.memory_space<vmem>>, vector<16xf32>,
      %get3A_79 = arith.index_cast %mul3A_69 : i32 to index
      %get3A_80 = tpu.vector_load %arg8[%get3A_79] {strides = array<i32>} : memref<16384xf32, #tpu.memory_space<vmem>>, vector<16xf32>,
      %add3A_81 = arith.addf %get3A_78, %get3A_80 : vector<16xf32>
      %swap3A_82 = arith.index_cast %mul3A_69 : i32 to index
      %swap3A_83 = tpu.vector_load %arg6[%swap3A_82] {strides = array<i32>} : memref<16384xf32, #tpu.memory_space<vmem>>, vector<16xf32>,
      tpu.vector_store %arg6[%swap3A_82], %add3A_81 {strides = array<i32>} : memref<16384xf32, #tpu.memory_space<vmem>>, vector<16xf32>,
      %scan3A_84 = arith.constant 2 : i32
      %scan3A_85 = arith.addi %scan3A_51, %scan3A_84 : i32
      %mul3A_86 = arith.constant 16 : i32
      %mul3A_87 = arith.muli %scan3A_85, %mul3A_86 : i32
      %get3A_88 = arith.index_cast %mul3A_87 : i32 to index
      %get3A_89 = tpu.vector_load %arg5[%get3A_88] {strides = array<i32>} : memref<16384xi32, #tpu.memory_space<vmem>>, vector<16xi32>,
      %get3A_90 = arith.index_cast %mul3A_87 : i32 to index
      %get3A_91 = tpu.vector_load %arg7[%get3A_90] {strides = array<i32>} : memref<16384xi32, #tpu.memory_space<vmem>>, vector<16xi32>,
      %add3A_92 = arith.addi %get3A_89, %get3A_91 : vector<16xi32>
      %swap3A_93 = arith.index_cast %mul3A_87 : i32 to index
      %swap3A_94 = tpu.vector_load %arg5[%swap3A_93] {strides = array<i32>} : memref<16384xi32, #tpu.memory_space<vmem>>, vector<16xi32>,
      tpu.vector_store %arg5[%swap3A_93], %add3A_92 {strides = array<i32>} : memref<16384xi32, #tpu.memory_space<vmem>>, vector<16xi32>,
      %get3A_95 = arith.index_cast %mul3A_87 : i32 to index
      %get3A_96 = tpu.vector_load %arg6[%get3A_95] {strides = array<i32>} : memref<16384xf32, #tpu.memory_space<vmem>>, vector<16xf32>,
      %get3A_97 = arith.index_cast %mul3A_87 : i32 to index
      %get3A_98 = tpu.vector_load %arg8[%get3A_97] {strides = array<i32>} : memref<16384xf32, #tpu.memory_space<vmem>>, vector<16xf32>,
      %add3A_99 = arith.addf %get3A_96, %get3A_98 : vector<16xf32>
      %swap3A_100 = arith.index_cast %mul3A_87 : i32 to index
      %swap3A_101 = tpu.vector_load %arg6[%swap3A_100] {strides = array<i32>} : memref<16384xf32, #tpu.memory_space<vmem>>, vector<16xf32>,
      tpu.vector_store %arg6[%swap3A_100], %add3A_99 {strides = array<i32>} : memref<16384xf32, #tpu.memory_space<vmem>>, vector<16xf32>,
      %scan3A_102 = arith.constant 3 : i32
      %scan3A_103 = arith.addi %scan3A_51, %scan3A_102 : i32
      %mul3A_104 = arith.constant 16 : i32
      %mul3A_105 = arith.muli %scan3A_103, %mul3A_104 : i32
      %get3A_106 = arith.index_cast %mul3A_105 : i32 to index
      %get3A_107 = tpu.vector_load %arg5[%get3A_106] {strides = array<i32>} : memref<16384xi32, #tpu.memory_space<vmem>>, vector<16xi32>,
      %get3A_108 = arith.index_cast %mul3A_105 : i32 to index
      %get3A_109 = tpu.vector_load %arg7[%get3A_108] {strides = array<i32>} : memref<16384xi32, #tpu.memory_space<vmem>>, vector<16xi32>,
      %add3A_110 = arith.addi %get3A_107, %get3A_109 : vector<16xi32>
      %swap3A_111 = arith.index_cast %mul3A_105 : i32 to index
      %swap3A_112 = tpu.vector_load %arg5[%swap3A_111] {strides = array<i32>} : memref<16384xi32, #tpu.memory_space<vmem>>, vector<16xi32>,
      tpu.vector_store %arg5[%swap3A_111], %add3A_110 {strides = array<i32>} : memref<16384xi32, #tpu.memory_space<vmem>>, vector<16xi32>,
      %get3A_113 = arith.index_cast %mul3A_105 : i32 to index
      %get3A_114 = tpu.vector_load %arg6[%get3A_113] {strides = array<i32>} : memref<16384xf32, #tpu.memory_space<vmem>>, vector<16xf32>,
      %get3A_115 = arith.index_cast %mul3A_105 : i32 to index
      %get3A_116 = tpu.vector_load %arg8[%get3A_115] {strides = array<i32>} : memref<16384xf32, #tpu.memory_space<vmem>>, vector<16xf32>,
      %add3A_117 = arith.addf %get3A_114, %get3A_116 : vector<16xf32>
      %swap3A_118 = arith.index_cast %mul3A_105 : i32 to index
      %swap3A_119 = tpu.vector_load %arg6[%swap3A_118] {strides = array<i32>} : memref<16384xf32, #tpu.memory_space<vmem>>, vector<16xf32>,
      tpu.vector_store %arg6[%swap3A_118], %add3A_117 {strides = array<i32>} : memref<16384xf32, #tpu.memory_space<vmem>>, vector<16xf32>,
      %scan3A_120 = arith.constant 4 : i32
      %scan3A_121 = arith.addi %scan3A_51, %scan3A_120 : i32
      %mul3A_122 = arith.constant 16 : i32
      %mul3A_123 = arith.muli %scan3A_121, %mul3A_122 : i32
      %get3A_124 = arith.index_cast %mul3A_123 : i32 to index
      %get3A_125 = tpu.vector_load %arg5[%get3A_124] {strides = array<i32>} : memref<16384xi32, #tpu.memory_space<vmem>>, vector<16xi32>,
      %get3A_126 = arith.index_cast %mul3A_123 : i32 to index
      %get3A_127 = tpu.vector_load %arg7[%get3A_126] {strides = array<i32>} : memref<16384xi32, #tpu.memory_space<vmem>>, vector<16xi32>,
      %add3A_128 = arith.addi %get3A_125, %get3A_127 : vector<16xi32>
      %swap3A_129 = arith.index_cast %mul3A_123 : i32 to index
      %swap3A_130 = tpu.vector_load %arg5[%swap3A_129] {strides = array<i32>} : memref<16384xi32, #tpu.memory_space<vmem>>, vector<16xi32>,
      tpu.vector_store %arg5[%swap3A_129], %add3A_128 {strides = array<i32>} : memref<16384xi32, #tpu.memory_space<vmem>>, vector<16xi32>,
      %get3A_131 = arith.index_cast %mul3A_123 : i32 to index
      %get3A_132 = tpu.vector_load %arg6[%get3A_131] {strides = array<i32>} : memref<16384xf32, #tpu.memory_space<vmem>>, vector<16xf32>,
      %get3A_133 = arith.index_cast %mul3A_123 : i32 to index
      %get3A_134 = tpu.vector_load %arg8[%get3A_133] {strides = array<i32>} : memref<16384xf32, #tpu.memory_space<vmem>>, vector<16xf32>,
      %add3A_135 = arith.addf %get3A_132, %get3A_134 : vector<16xf32>
      %swap3A_136 = arith.index_cast %mul3A_123 : i32 to index
      %swap3A_137 = tpu.vector_load %arg6[%swap3A_136] {strides = array<i32>} : memref<16384xf32, #tpu.memory_space<vmem>>, vector<16xf32>,
      tpu.vector_store %arg6[%swap3A_136], %add3A_135 {strides = array<i32>} : memref<16384xf32, #tpu.memory_space<vmem>>, vector<16xf32>,
      %scan3A_138 = arith.constant 5 : i32
      %scan3A_139 = arith.addi %scan3A_51, %scan3A_138 : i32
      %mul3A_140 = arith.constant 16 : i32
      %mul3A_141 = arith.muli %scan3A_139, %mul3A_140 : i32
      %get3A_142 = arith.index_cast %mul3A_141 : i32 to index
      %get3A_143 = tpu.vector_load %arg5[%get3A_142] {strides = array<i32>} : memref<16384xi32, #tpu.memory_space<vmem>>, vector<16xi32>,
      %get3A_144 = arith.index_cast %mul3A_141 : i32 to index
      %get3A_145 = tpu.vector_load %arg7[%get3A_144] {strides = array<i32>} : memref<16384xi32, #tpu.memory_space<vmem>>, vector<16xi32>,
      %add3A_146 = arith.addi %get3A_143, %get3A_145 : vector<16xi32>
      %swap3A_147 = arith.index_cast %mul3A_141 : i32 to index
      %swap3A_148 = tpu.vector_load %arg5[%swap3A_147] {strides = array<i32>} : memref<16384xi32, #tpu.memory_space<vmem>>, vector<16xi32>,
      tpu.vector_store %arg5[%swap3A_147], %add3A_146 {strides = array<i32>} : memref<16384xi32, #tpu.memory_space<vmem>>, vector<16xi32>,
      %get3A_149 = arith.index_cast %mul3A_141 : i32 to index
      %get3A_150 = tpu.vector_load %arg6[%get3A_149] {strides = array<i32>} : memref<16384xf32, #tpu.memory_space<vmem>>, vector<16xf32>,
      %get3A_151 = arith.index_cast %mul3A_141 : i32 to index
      %get3A_152 = tpu.vector_load %arg8[%get3A_151] {strides = array<i32>} : memref<16384xf32, #tpu.memory_space<vmem>>, vector<16xf32>,
      %add3A_153 = arith.addf %get3A_150, %get3A_152 : vector<16xf32>
      %swap3A_154 = arith.index_cast %mul3A_141 : i32 to index
      %swap3A_155 = tpu.vector_load %arg6[%swap3A_154] {strides = array<i32>} : memref<16384xf32, #tpu.memory_space<vmem>>, vector<16xf32>,
      tpu.vector_store %arg6[%swap3A_154], %add3A_153 {strides = array<i32>} : memref<16384xf32, #tpu.memory_space<vmem>>, vector<16xf32>,
      %scan3A_156 = arith.constant 6 : i32
      %scan3A_157 = arith.addi %scan3A_51, %scan3A_156 : i32
      %mul3A_158 = arith.constant 16 : i32
      %mul3A_159 = arith.muli %scan3A_157, %mul3A_158 : i32
      %get3A_160 = arith.index_cast %mul3A_159 : i32 to index
      %get3A_161 = tpu.vector_load %arg5[%get3A_160] {strides = array<i32>} : memref<16384xi32, #tpu.memory_space<vmem>>, vector<16xi32>,
      %get3A_162 = arith.index_cast %mul3A_159 : i32 to index
      %get3A_163 = tpu.vector_load %arg7[%get3A_162] {strides = array<i32>} : memref<16384xi32, #tpu.memory_space<vmem>>, vector<16xi32>,
      %add3A_164 = arith.addi %get3A_161, %get3A_163 : vector<16xi32>
      %swap3A_165 = arith.index_cast %mul3A_159 : i32 to index
      %swap3A_166 = tpu.vector_load %arg5[%swap3A_165] {strides = array<i32>} : memref<16384xi32, #tpu.memory_space<vmem>>, vector<16xi32>,
      tpu.vector_store %arg5[%swap3A_165], %add3A_164 {strides = array<i32>} : memref<16384xi32, #tpu.memory_space<vmem>>, vector<16xi32>,
      %get3A_167 = arith.index_cast %mul3A_159 : i32 to index
      %get3A_168 = tpu.vector_load %arg6[%get3A_167] {strides = array<i32>} : memref<16384xf32, #tpu.memory_space<vmem>>, vector<16xf32>,
      %get3A_169 = arith.index_cast %mul3A_159 : i32 to index
      %get3A_170 = tpu.vector_load %arg8[%get3A_169] {strides = array<i32>} : memref<16384xf32, #tpu.memory_space<vmem>>, vector<16xf32>,
      %add3A_171 = arith.addf %get3A_168, %get3A_170 : vector<16xf32>
      %swap3A_172 = arith.index_cast %mul3A_159 : i32 to index
      %swap3A_173 = tpu.vector_load %arg6[%swap3A_172] {strides = array<i32>} : memref<16384xf32, #tpu.memory_space<vmem>>, vector<16xf32>,
      tpu.vector_store %arg6[%swap3A_172], %add3A_171 {strides = array<i32>} : memref<16384xf32, #tpu.memory_space<vmem>>, vector<16xf32>,
      %scan3A_174 = arith.constant 7 : i32
      %scan3A_175 = arith.addi %scan3A_51, %scan3A_174 : i32
      %mul3A_176 = arith.constant 16 : i32
      %mul3A_177 = arith.muli %scan3A_175, %mul3A_176 : i32
      %get3A_178 = arith.index_cast %mul3A_177 : i32 to index
      %get3A_179 = tpu.vector_load %arg5[%get3A_178] {strides = array<i32>} : memref<16384xi32, #tpu.memory_space<vmem>>, vector<16xi32>,
      %get3A_180 = arith.index_cast %mul3A_177 : i32 to index
      %get3A_181 = tpu.vector_load %arg7[%get3A_180] {strides = array<i32>} : memref<16384xi32, #tpu.memory_space<vmem>>, vector<16xi32>,
      %add3A_182 = arith.addi %get3A_179, %get3A_181 : vector<16xi32>
      %swap3A_183 = arith.index_cast %mul3A_177 : i32 to index
      %swap3A_184 = tpu.vector_load %arg5[%swap3A_183] {strides = array<i32>} : memref<16384xi32, #tpu.memory_space<vmem>>, vector<16xi32>,
      tpu.vector_store %arg5[%swap3A_183], %add3A_182 {strides = array<i32>} : memref<16384xi32, #tpu.memory_space<vmem>>, vector<16xi32>,
      %get3A_185 = arith.index_cast %mul3A_177 : i32 to index
      %get3A_186 = tpu.vector_load %arg6[%get3A_185] {strides = array<i32>} : memref<16384xf32, #tpu.memory_space<vmem>>, vector<16xf32>,
      %get3A_187 = arith.index_cast %mul3A_177 : i32 to index
      %get3A_188 = tpu.vector_load %arg8[%get3A_187] {strides = array<i32>} : memref<16384xf32, #tpu.memory_space<vmem>>, vector<16xf32>,
      %add3A_189 = arith.addf %get3A_186, %get3A_188 : vector<16xf32>
      %swap3A_190 = arith.index_cast %mul3A_177 : i32 to index
      %swap3A_191 = tpu.vector_load %arg6[%swap3A_190] {strides = array<i32>} : memref<16384xf32, #tpu.memory_space<vmem>>, vector<16xf32>,
      tpu.vector_store %arg6[%swap3A_190], %add3A_189 {strides = array<i32>} : memref<16384xf32, #tpu.memory_space<vmem>>, vector<16xf32>,
    }
    %scan3A_50 = arith.constant 1024 : i32
    "tpu.region"() ({
      %run_scoped3A = tpu.sem_alloc : memref<!tpu.dma_semaphore, #tpu.memory_space<semaphore_mem>>
      %dma_start3A_51 = arith.constant 0 : i32
      %dma_start3A_52 = tpu.memref_slice %arg3[%add3A, %dma_start3A_51] : memref<32x16384xi32, #tpu.memory_space<hbm>> -> memref<1x16384xi32, #tpu.memory_space<hbm>>
      %dma_start3A_53 = tpu.memref_squeeze %dma_start3A_52 : memref<1x16384xi32, #tpu.memory_space<hbm>> -> memref<16384xi32, #tpu.memory_space<hbm>>
      %dma_start3A_54 = arith.constant 0 : i32
      %dma_start3A_55 = tpu.memref_slice %arg3[%add3A, %dma_start3A_54] : memref<32x16384xi32, #tpu.memory_space<hbm>> -> memref<1x16384xi32, #tpu.memory_space<hbm>>
      %dma_start3A_56 = tpu.memref_squeeze %dma_start3A_55 : memref<1x16384xi32, #tpu.memory_space<hbm>> -> memref<16384xi32, #tpu.memory_space<hbm>>
      tpu.enqueue_dma source(%arg5 : memref<16384xi32, #tpu.memory_space<vmem>>) target(%dma_start3A_56 : memref<16384xi32, #tpu.memory_space<hbm>>) target_semaphore(%run_scoped3A : memref<!tpu.dma_semaphore, #tpu.memory_space<semaphore_mem>>)
      %dma_wait3A_57 = arith.constant 0 : i32
      %dma_wait3A_58 = tpu.memref_slice %arg3[%add3A, %dma_wait3A_57] : memref<32x16384xi32, #tpu.memory_space<hbm>> -> memref<1x16384xi32, #tpu.memory_space<hbm>>
      %dma_wait3A_59 = tpu.memref_squeeze %dma_wait3A_58 : memref<1x16384xi32, #tpu.memory_space<hbm>> -> memref<16384xi32, #tpu.memory_space<hbm>>
      %dma_wait3A_60 = arith.constant 0 : i32
      %dma_wait3A_61 = tpu.memref_slice %arg3[%add3A, %dma_wait3A_60] : memref<32x16384xi32, #tpu.memory_space<hbm>> -> memref<1x16384xi32, #tpu.memory_space<hbm>>
      %dma_wait3A_62 = tpu.memref_squeeze %dma_wait3A_61 : memref<1x16384xi32, #tpu.memory_space<hbm>> -> memref<16384xi32, #tpu.memory_space<hbm>>
      tpu.wait_dma2 semaphore(%run_scoped3A : memref<!tpu.dma_semaphore, #tpu.memory_space<semaphore_mem>>) src(%arg5 : memref<16384xi32, #tpu.memory_space<vmem>>) dst(%dma_wait3A_62 : memref<16384xi32, #tpu.memory_space<hbm>>)
      tpu.yield
    }) : () -> ()
    "tpu.region"() ({
      %run_scoped3A = tpu.sem_alloc : memref<!tpu.dma_semaphore, #tpu.memory_space<semaphore_mem>>
      %dma_start3A_51 = arith.constant 0 : i32
      %dma_start3A_52 = tpu.memref_slice %arg4[%add3A, %dma_start3A_51] : memref<32x16384xf32, #tpu.memory_space<hbm>> -> memref<1x16384xf32, #tpu.memory_space<hbm>>
      %dma_start3A_53 = tpu.memref_squeeze %dma_start3A_52 : memref<1x16384xf32, #tpu.memory_space<hbm>> -> memref<16384xf32, #tpu.memory_space<hbm>>
      %dma_start3A_54 = arith.constant 0 : i32
      %dma_start3A_55 = tpu.memref_slice %arg4[%add3A, %dma_start3A_54] : memref<32x16384xf32, #tpu.memory_space<hbm>> -> memref<1x16384xf32, #tpu.memory_space<hbm>>
      %dma_start3A_56 = tpu.memref_squeeze %dma_start3A_55 : memref<1x16384xf32, #tpu.memory_space<hbm>> -> memref<16384xf32, #tpu.memory_space<hbm>>
      tpu.enqueue_dma source(%arg6 : memref<16384xf32, #tpu.memory_space<vmem>>) target(%dma_start3A_56 : memref<16384xf32, #tpu.memory_space<hbm>>) target_semaphore(%run_scoped3A : memref<!tpu.dma_semaphore, #tpu.memory_space<semaphore_mem>>)
      %dma_wait3A_57 = arith.constant 0 : i32
      %dma_wait3A_58 = tpu.memref_slice %arg4[%add3A, %dma_wait3A_57] : memref<32x16384xf32, #tpu.memory_space<hbm>> -> memref<1x16384xf32, #tpu.memory_space<hbm>>
      %dma_wait3A_59 = tpu.memref_squeeze %dma_wait3A_58 : memref<1x16384xf32, #tpu.memory_space<hbm>> -> memref<16384xf32, #tpu.memory_space<hbm>>
      %dma_wait3A_60 = arith.constant 0 : i32
      %dma_wait3A_61 = tpu.memref_slice %arg4[%add3A, %dma_wait3A_60] : memref<32x16384xf32, #tpu.memory_space<hbm>> -> memref<1x16384xf32, #tpu.memory_space<hbm>>
      %dma_wait3A_62 = tpu.memref_squeeze %dma_wait3A_61 : memref<1x16384xf32, #tpu.memory_space<hbm>> -> memref<16384xf32, #tpu.memory_space<hbm>>
      tpu.wait_dma2 semaphore(%run_scoped3A : memref<!tpu.dma_semaphore, #tpu.memory_space<semaphore_mem>>) src(%arg6 : memref<16384xf32, #tpu.memory_space<vmem>>) dst(%dma_wait3A_62 : memref<16384xf32, #tpu.memory_space<hbm>>)
      tpu.yield
    }) : () -> ()
    return
  }
}

module attributes {stable_mosaic.version = 14 : i64} {
  func.func @_loss_body(%arg0: i32, %arg1: memref<32x16384xf32, #tpu.memory_space<vmem>>, %arg2: memref<32x16384xf32, #tpu.memory_space<vmem>>, %arg3: memref<32x16384xf32, #tpu.memory_space<vmem>>) attributes {dimension_semantics = [#tpu.dimension_semantics<arbitrary>], iteration_bounds = array<i64: 16>, scalar_prefetch = 0 : i64, scratch_operands = 0 : i64, tpu.core_type = #tpu.core_type<tc>, window_params = [{transform_indices = @transform_0, window_bounds = array<i64: 32, 16384>}, {transform_indices = @transform_1, window_bounds = array<i64: 32, 16384>}, {transform_indices = @transform_2, window_bounds = array<i64: 32, 16384>}]} {
    %get3A = arith.constant 0 : index
    %get3A_0 = arith.constant 0 : index
    %get3A_1 = vector.load %arg1[%get3A, %get3A_0] : memref<32x16384xf32, #tpu.memory_space<vmem>>, vector<32x16384xf32>
    %get3A_2 = arith.constant 0 : index
    %get3A_3 = arith.constant 0 : index
    %get3A_4 = vector.load %arg2[%get3A_2, %get3A_3] : memref<32x16384xf32, #tpu.memory_space<vmem>>, vector<32x16384xf32>
    %max3A = arith.constant 0.000000e+00 : f32
    %max3A_5 = vector.broadcast %max3A : f32 to vector<32x16384xf32>
    %max3A_6 = arith.maximumf %get3A_1, %max3A_5 : vector<32x16384xf32>
    %mul3A = arith.mulf %get3A_1, %get3A_4 : vector<32x16384xf32>
    %sub3A = arith.subf %max3A_6, %mul3A : vector<32x16384xf32>
    %abs3A = math.absf %get3A_1 : vector<32x16384xf32>
    %neg3A = arith.constant 0.000000e+00 : f32
    %neg3A_7 = vector.broadcast %neg3A : f32 to vector<32x16384xf32>
    %neg3A_8 = arith.subf %neg3A_7, %abs3A : vector<32x16384xf32>
    %exp3A = math.exp %neg3A_8 : vector<32x16384xf32>
    %log1p3A = math.log1p %exp3A : vector<32x16384xf32>
    %add3A = arith.addf %sub3A, %log1p3A : vector<32x16384xf32>
    %swap3A = arith.constant 0 : index
    %swap3A_9 = arith.constant 0 : index
    %swap3A_10 = vector.load %arg3[%swap3A, %swap3A_9] : memref<32x16384xf32, #tpu.memory_space<vmem>>, vector<32x16384xf32>
    tpu.vector_store %arg3[%swap3A, %swap3A_9], %add3A {strides = array<i32>} : memref<32x16384xf32, #tpu.memory_space<vmem>>, vector<32x16384xf32>,
    return
  }
  func.func @transform_0(%arg0: i32) -> (i32, i32) {
    %c0_i32 = arith.constant 0 : i32
    %c0_i32_0 = arith.constant 0 : i32
    return %arg0, %c0_i32 : i32, i32
  }
  func.func @transform_1(%arg0: i32) -> (i32, i32) {
    %c0_i32 = arith.constant 0 : i32
    %c0_i32_0 = arith.constant 0 : i32
    return %arg0, %c0_i32 : i32, i32
  }
  func.func @transform_2(%arg0: i32) -> (i32, i32) {
    %c0_i32 = arith.constant 0 : i32
    %c0_i32_0 = arith.constant 0 : i32
    return %arg0, %c0_i32 : i32, i32
  }
}

module attributes {stable_mosaic.version = 14 : i64} {
  func.func @_select_body(%arg0: memref<32x128x128xi32, #tpu.memory_space<vmem>>, %arg1: memref<32x128x128xf32, #tpu.memory_space<vmem>>, %arg2: memref<1x1xf32, #tpu.memory_space<vmem>>) attributes {dimension_semantics = [], scalar_prefetch = 0 : i64, scratch_operands = 0 : i64, tpu.core_type = #tpu.core_type<tc>} {
    %get3A = arith.constant 0 : index
    %get3A_0 = arith.constant 0 : index
    %get3A_1 = arith.constant 0 : index
    %get3A_2 = vector.load %arg0[%get3A, %get3A_0, %get3A_1] : memref<32x128x128xi32, #tpu.memory_space<vmem>>, vector<32x128x128xi32>
    %reduce_sum3A = arith.constant dense<0> : vector<128x128xi32>
    %reduce_sum3A_3 = vector.multi_reduction <add>, %get3A_2, %reduce_sum3A [0] : vector<32x128x128xi32> to vector<128x128xi32>
    %get3A_4 = arith.constant 0 : index
    %get3A_5 = arith.constant 0 : index
    %get3A_6 = arith.constant 0 : index
    %get3A_7 = vector.load %arg1[%get3A_4, %get3A_5, %get3A_6] : memref<32x128x128xf32, #tpu.memory_space<vmem>>, vector<32x128x128xf32>
    %reduce_sum3A_8 = arith.constant dense<0.000000e+00> : vector<128x128xf32>
    %reduce_sum3A_9 = vector.multi_reduction <add>, %get3A_7, %reduce_sum3A_8 [0] : vector<32x128x128xf32> to vector<128x128xf32>
    %broadcast_in_dim3A = arith.constant 0 : i32
    %broadcast_in_dim3A_10 = vector.broadcast %broadcast_in_dim3A : i32 to vector<128x1xi32>
    %slice3A = vector.extract_strided_slice %reduce_sum3A_3 {offsets = [0, 1], sizes = [128, 127], strides = [1, 1]} : vector<128x128xi32> to vector<128x127xi32>
    %concatenate3A = tpu.concatenate %slice3A, %broadcast_in_dim3A_10 in 1 : vector<128x127xi32>, vector<128x1xi32> -> vector<128x128xi32>
    %add3A = arith.addi %reduce_sum3A_3, %concatenate3A : vector<128x128xi32>
    %broadcast_in_dim3A_11 = arith.constant 0 : i32
    %broadcast_in_dim3A_12 = vector.broadcast %broadcast_in_dim3A_11 : i32 to vector<128x2xi32>
    %slice3A_13 = vector.extract_strided_slice %add3A {offsets = [0, 2], sizes = [128, 126], strides = [1, 1]} : vector<128x128xi32> to vector<128x126xi32>
    %concatenate3A_14 = tpu.concatenate %slice3A_13, %broadcast_in_dim3A_12 in 1 : vector<128x126xi32>, vector<128x2xi32> -> vector<128x128xi32>
    %add3A_15 = arith.addi %add3A, %concatenate3A_14 : vector<128x128xi32>
    %broadcast_in_dim3A_16 = arith.constant 0 : i32
    %broadcast_in_dim3A_17 = vector.broadcast %broadcast_in_dim3A_16 : i32 to vector<128x4xi32>
    %slice3A_18 = vector.extract_strided_slice %add3A_15 {offsets = [0, 4], sizes = [128, 124], strides = [1, 1]} : vector<128x128xi32> to vector<128x124xi32>
    %concatenate3A_19 = tpu.concatenate %slice3A_18, %broadcast_in_dim3A_17 in 1 : vector<128x124xi32>, vector<128x4xi32> -> vector<128x128xi32>
    %add3A_20 = arith.addi %add3A_15, %concatenate3A_19 : vector<128x128xi32>
    %broadcast_in_dim3A_21 = arith.constant 0 : i32
    %broadcast_in_dim3A_22 = vector.broadcast %broadcast_in_dim3A_21 : i32 to vector<128x8xi32>
    %slice3A_23 = vector.extract_strided_slice %add3A_20 {offsets = [0, 8], sizes = [128, 120], strides = [1, 1]} : vector<128x128xi32> to vector<128x120xi32>
    %concatenate3A_24 = tpu.concatenate %slice3A_23, %broadcast_in_dim3A_22 in 1 : vector<128x120xi32>, vector<128x8xi32> -> vector<128x128xi32>
    %add3A_25 = arith.addi %add3A_20, %concatenate3A_24 : vector<128x128xi32>
    %broadcast_in_dim3A_26 = arith.constant 0 : i32
    %broadcast_in_dim3A_27 = vector.broadcast %broadcast_in_dim3A_26 : i32 to vector<128x16xi32>
    %slice3A_28 = vector.extract_strided_slice %add3A_25 {offsets = [0, 16], sizes = [128, 112], strides = [1, 1]} : vector<128x128xi32> to vector<128x112xi32>
    %concatenate3A_29 = tpu.concatenate %slice3A_28, %broadcast_in_dim3A_27 in 1 : vector<128x112xi32>, vector<128x16xi32> -> vector<128x128xi32>
    %add3A_30 = arith.addi %add3A_25, %concatenate3A_29 : vector<128x128xi32>
    %broadcast_in_dim3A_31 = arith.constant 0 : i32
    %broadcast_in_dim3A_32 = vector.broadcast %broadcast_in_dim3A_31 : i32 to vector<128x32xi32>
    %slice3A_33 = vector.extract_strided_slice %add3A_30 {offsets = [0, 32], sizes = [128, 96], strides = [1, 1]} : vector<128x128xi32> to vector<128x96xi32>
    %concatenate3A_34 = tpu.concatenate %slice3A_33, %broadcast_in_dim3A_32 in 1 : vector<128x96xi32>, vector<128x32xi32> -> vector<128x128xi32>
    %add3A_35 = arith.addi %add3A_30, %concatenate3A_34 : vector<128x128xi32>
    %broadcast_in_dim3A_36 = arith.constant 0 : i32
    %broadcast_in_dim3A_37 = vector.broadcast %broadcast_in_dim3A_36 : i32 to vector<128x64xi32>
    %slice3A_38 = vector.extract_strided_slice %add3A_35 {offsets = [0, 64], sizes = [128, 64], strides = [1, 1]} : vector<128x128xi32> to vector<128x64xi32>
    %concatenate3A_39 = tpu.concatenate %slice3A_38, %broadcast_in_dim3A_37 in 1 : vector<128x64xi32>, vector<128x64xi32> -> vector<128x128xi32>
    %add3A_40 = arith.addi %add3A_35, %concatenate3A_39 : vector<128x128xi32>
    %slice3A_41 = vector.extract_strided_slice %add3A_40 {offsets = [0, 0], sizes = [128, 1], strides = [1, 1]} : vector<128x128xi32> to vector<128x1xi32>
    %broadcast_in_dim3A_42 = vector.shape_cast %slice3A_41 : vector<128x1xi32> to vector<128x1xi32>
    %broadcast_in_dim3A_43 = vector.broadcast %broadcast_in_dim3A_42 : vector<128x1xi32> to vector<128x128xi32>
    %broadcast_in_dim3A_44 = arith.constant 0 : i32
    %broadcast_in_dim3A_45 = vector.broadcast %broadcast_in_dim3A_44 : i32 to vector<1x128xi32>
    %slice3A_46 = vector.extract_strided_slice %broadcast_in_dim3A_43 {offsets = [1, 0], sizes = [127, 128], strides = [1, 1]} : vector<128x128xi32> to vector<127x128xi32>
    %concatenate3A_47 = tpu.concatenate %slice3A_46, %broadcast_in_dim3A_45 in 0 : vector<127x128xi32>, vector<1x128xi32> -> vector<128x128xi32>
    %add3A_48 = arith.addi %broadcast_in_dim3A_43, %concatenate3A_47 : vector<128x128xi32>
    %broadcast_in_dim3A_49 = arith.constant 0 : i32
    %broadcast_in_dim3A_50 = vector.broadcast %broadcast_in_dim3A_49 : i32 to vector<2x128xi32>
    %slice3A_51 = vector.extract_strided_slice %add3A_48 {offsets = [2, 0], sizes = [126, 128], strides = [1, 1]} : vector<128x128xi32> to vector<126x128xi32>
    %concatenate3A_52 = tpu.concatenate %slice3A_51, %broadcast_in_dim3A_50 in 0 : vector<126x128xi32>, vector<2x128xi32> -> vector<128x128xi32>
    %add3A_53 = arith.addi %add3A_48, %concatenate3A_52 : vector<128x128xi32>
    %broadcast_in_dim3A_54 = arith.constant 0 : i32
    %broadcast_in_dim3A_55 = vector.broadcast %broadcast_in_dim3A_54 : i32 to vector<4x128xi32>
    %slice3A_56 = vector.extract_strided_slice %add3A_53 {offsets = [4, 0], sizes = [124, 128], strides = [1, 1]} : vector<128x128xi32> to vector<124x128xi32>
    %concatenate3A_57 = tpu.concatenate %slice3A_56, %broadcast_in_dim3A_55 in 0 : vector<124x128xi32>, vector<4x128xi32> -> vector<128x128xi32>
    %add3A_58 = arith.addi %add3A_53, %concatenate3A_57 : vector<128x128xi32>
    %broadcast_in_dim3A_59 = arith.constant 0 : i32
    %broadcast_in_dim3A_60 = vector.broadcast %broadcast_in_dim3A_59 : i32 to vector<8x128xi32>
    %slice3A_61 = vector.extract_strided_slice %add3A_58 {offsets = [8, 0], sizes = [120, 128], strides = [1, 1]} : vector<128x128xi32> to vector<120x128xi32>
    %concatenate3A_62 = tpu.concatenate %slice3A_61, %broadcast_in_dim3A_60 in 0 : vector<120x128xi32>, vector<8x128xi32> -> vector<128x128xi32>
    %add3A_63 = arith.addi %add3A_58, %concatenate3A_62 : vector<128x128xi32>
    %broadcast_in_dim3A_64 = arith.constant 0 : i32
    %broadcast_in_dim3A_65 = vector.broadcast %broadcast_in_dim3A_64 : i32 to vector<16x128xi32>
    %slice3A_66 = vector.extract_strided_slice %add3A_63 {offsets = [16, 0], sizes = [112, 128], strides = [1, 1]} : vector<128x128xi32> to vector<112x128xi32>
    %concatenate3A_67 = tpu.concatenate %slice3A_66, %broadcast_in_dim3A_65 in 0 : vector<112x128xi32>, vector<16x128xi32> -> vector<128x128xi32>
    %add3A_68 = arith.addi %add3A_63, %concatenate3A_67 : vector<128x128xi32>
    %broadcast_in_dim3A_69 = arith.constant 0 : i32
    %broadcast_in_dim3A_70 = vector.broadcast %broadcast_in_dim3A_69 : i32 to vector<32x128xi32>
    %slice3A_71 = vector.extract_strided_slice %add3A_68 {offsets = [32, 0], sizes = [96, 128], strides = [1, 1]} : vector<128x128xi32> to vector<96x128xi32>
    %concatenate3A_72 = tpu.concatenate %slice3A_71, %broadcast_in_dim3A_70 in 0 : vector<96x128xi32>, vector<32x128xi32> -> vector<128x128xi32>
    %add3A_73 = arith.addi %add3A_68, %concatenate3A_72 : vector<128x128xi32>
    %broadcast_in_dim3A_74 = arith.constant 0 : i32
    %broadcast_in_dim3A_75 = vector.broadcast %broadcast_in_dim3A_74 : i32 to vector<64x128xi32>
    %slice3A_76 = vector.extract_strided_slice %add3A_73 {offsets = [64, 0], sizes = [64, 128], strides = [1, 1]} : vector<128x128xi32> to vector<64x128xi32>
    %concatenate3A_77 = tpu.concatenate %slice3A_76, %broadcast_in_dim3A_75 in 0 : vector<64x128xi32>, vector<64x128xi32> -> vector<128x128xi32>
    %add3A_78 = arith.addi %add3A_73, %concatenate3A_77 : vector<128x128xi32>
    %add3A_79 = arith.addi %add3A_40, %add3A_78 : vector<128x128xi32>
    %sub3A = arith.subi %add3A_79, %broadcast_in_dim3A_43 : vector<128x128xi32>
    %iota3A = tpu.iota {dimensions = array<i32: 0>} : vector<128x128xi32>
    %iota3A_80 = tpu.iota {dimensions = array<i32: 1>} : vector<128x128xi32>
    %mul3A = arith.constant 128 : i32
    %mul3A_81 = vector.broadcast %mul3A : i32 to vector<128x128xi32>
    %mul3A_82 = arith.muli %iota3A, %mul3A_81 : vector<128x128xi32>
    %add3A_83 = arith.addi %mul3A_82, %iota3A_80 : vector<128x128xi32>
    %ge3A = arith.constant 4194304 : i32
    %ge3A_84 = vector.broadcast %ge3A : i32 to vector<128x128xi32>
    %ge3A_85 = arith.cmpi sge, %sub3A, %ge3A_84 : vector<128x128xi32>
    %jit3A = arith.constant -1 : i32
    %broadcast_in_dim3A_86 = vector.broadcast %jit3A : i32 to vector<128x128xi32>
    %select_n3A = arith.select %ge3A_85, %add3A_83, %broadcast_in_dim3A_86 : vector<128x128xi1>, vector<128x128xi32>
    %reduce_max3A = vector.shape_cast %select_n3A : vector<128x128xi32> to vector<1x128x128xi32>
    %reduce_max3A_87 = arith.constant dense<-2147483648> : vector<1xi32>
    %reduce_max3A_88 = vector.multi_reduction <maxsi>, %reduce_max3A, %reduce_max3A_87 [1, 2] : vector<1x128x128xi32> to vector<1xi32>
    %reduce_max3A_89 = vector.shape_cast %reduce_max3A_88 : vector<1xi32> to vector<1x1x1xi32>
    %reduce_max3A_90 = vector.extract %reduce_max3A_89[0, 0, 0] : i32 from vector<1x1x1xi32>
    %gt3A = vector.broadcast %reduce_max3A_90 : i32 to vector<128x128xi32>
    %gt3A_91 = arith.cmpi sgt, %add3A_83, %gt3A : vector<128x128xi32>
    %eq3A = vector.broadcast %reduce_max3A_90 : i32 to vector<128x128xi32>
    %eq3A_92 = arith.cmpi eq, %add3A_83, %eq3A : vector<128x128xi32>
    %jit3A_93 = arith.constant 0 : i32
    %broadcast_in_dim3A_94 = vector.broadcast %jit3A_93 : i32 to vector<128x128xi32>
    %select_n3A_95 = arith.select %gt3A_91, %reduce_sum3A_3, %broadcast_in_dim3A_94 : vector<128x128xi1>, vector<128x128xi32>
    %reduce_sum3A_96 = vector.shape_cast %select_n3A_95 : vector<128x128xi32> to vector<1x128x128xi32>
    %reduce_sum3A_97 = arith.constant dense<0> : vector<1xi32>
    %reduce_sum3A_98 = vector.multi_reduction <add>, %reduce_sum3A_96, %reduce_sum3A_97 [1, 2] : vector<1x128x128xi32> to vector<1xi32>
    %reduce_sum3A_99 = vector.shape_cast %reduce_sum3A_98 : vector<1xi32> to vector<1x1x1xi32>
    %reduce_sum3A_100 = vector.extract %reduce_sum3A_99[0, 0, 0] : i32 from vector<1x1x1xi32>
    %jit3A_101 = arith.constant 0.000000e+00 : f32
    %broadcast_in_dim3A_102 = vector.broadcast %jit3A_101 : f32 to vector<128x128xf32>
    %select_n3A_103 = arith.select %gt3A_91, %reduce_sum3A_9, %broadcast_in_dim3A_102 : vector<128x128xi1>, vector<128x128xf32>
    %reduce_sum3A_104 = vector.shape_cast %select_n3A_103 : vector<128x128xf32> to vector<1x128x128xf32>
    %reduce_sum3A_105 = arith.constant dense<0.000000e+00> : vector<1xf32>
    %reduce_sum3A_106 = vector.multi_reduction <add>, %reduce_sum3A_104, %reduce_sum3A_105 [1, 2] : vector<1x128x128xf32> to vector<1xf32>
    %reduce_sum3A_107 = vector.shape_cast %reduce_sum3A_106 : vector<1xf32> to vector<1x1x1xf32>
    %reduce_sum3A_108 = vector.extract %reduce_sum3A_107[0, 0, 0] : f32 from vector<1x1x1xf32>
    %jit3A_109 = arith.constant 0 : i32
    %broadcast_in_dim3A_110 = vector.broadcast %jit3A_109 : i32 to vector<128x128xi32>
    %select_n3A_111 = arith.select %eq3A_92, %reduce_sum3A_3, %broadcast_in_dim3A_110 : vector<128x128xi1>, vector<128x128xi32>
    %reduce_sum3A_112 = vector.shape_cast %select_n3A_111 : vector<128x128xi32> to vector<1x128x128xi32>
    %reduce_sum3A_113 = arith.constant dense<0> : vector<1xi32>
    %reduce_sum3A_114 = vector.multi_reduction <add>, %reduce_sum3A_112, %reduce_sum3A_113 [1, 2] : vector<1x128x128xi32> to vector<1xi32>
    %reduce_sum3A_115 = vector.shape_cast %reduce_sum3A_114 : vector<1xi32> to vector<1x1x1xi32>
    %reduce_sum3A_116 = vector.extract %reduce_sum3A_115[0, 0, 0] : i32 from vector<1x1x1xi32>
    %jit3A_117 = arith.constant 0.000000e+00 : f32
    %broadcast_in_dim3A_118 = vector.broadcast %jit3A_117 : f32 to vector<128x128xf32>
    %select_n3A_119 = arith.select %eq3A_92, %reduce_sum3A_9, %broadcast_in_dim3A_118 : vector<128x128xi1>, vector<128x128xf32>
    %reduce_sum3A_120 = vector.shape_cast %select_n3A_119 : vector<128x128xf32> to vector<1x128x128xf32>
    %reduce_sum3A_121 = arith.constant dense<0.000000e+00> : vector<1xf32>
    %reduce_sum3A_122 = vector.multi_reduction <add>, %reduce_sum3A_120, %reduce_sum3A_121 [1, 2] : vector<1x128x128xf32> to vector<1xf32>
    %reduce_sum3A_123 = vector.shape_cast %reduce_sum3A_122 : vector<1xf32> to vector<1x1x1xf32>
    %reduce_sum3A_124 = vector.extract %reduce_sum3A_123[0, 0, 0] : f32 from vector<1x1x1xf32>
    %sub3A_125 = arith.constant 4194304 : i32
    %sub3A_126 = arith.subi %sub3A_125, %reduce_sum3A_100 : i32
    %convert_element_type3A = arith.sitofp %sub3A_126 : i32 to f32
    %convert_element_type3A_127 = arith.sitofp %reduce_sum3A_116 : i32 to f32
    %div3A = arith.divf %reduce_sum3A_124, %convert_element_type3A_127 : f32
    %mul3A_128 = arith.mulf %convert_element_type3A, %div3A : f32
    %add3A_129 = arith.addf %reduce_sum3A_108, %mul3A_128 : f32
    %div3A_130 = arith.constant 0x4A800000 : f32
    %div3A_131 = arith.divf %add3A_129, %div3A_130 : f32
    %broadcast_in_dim3A_132 = vector.broadcast %div3A_131 : f32 to vector<1x1xf32>
    %swap3A = arith.constant 0 : index
    %swap3A_133 = arith.constant 0 : index
    %swap3A_134 = vector.load %arg2[%swap3A, %swap3A_133] : memref<1x1xf32, #tpu.memory_space<vmem>>, vector<1x1xf32>
    tpu.vector_store %arg2[%swap3A, %swap3A_133], %broadcast_in_dim3A_132 {strides = array<i32>} : memref<1x1xf32, #tpu.memory_space<vmem>>, vector<1x1xf32>,
    return
  }
}

</mosaic_0001>

<sc_bundles>
// kernel: kernel.5.cloned.1.call-start
scs
__scs_entry_jumppad:
0x0: {  	(pc) =	sbr.rel $0x88, $3  }
0x1: {  	(tag) =	ssettag $0x0;
	lr =	simm.s32 $0x1  }
0x2: {  	[smem:$0x3F9F] =	sst lr;
	_ =	strace $0xD0000000  }
0x3: {  	_ = 	snop  }
0x4: {  	_ = 	snop  }
0x5: {  	_ = 	snop  }
0x6: {  	_ = 	snop  }
0x7: {  	_ = 	snop  }
__scs_overlays_trampoline_lowered:
0x8: {  	[smem:$0x3FAE] =	sst s0  }
0x9: {  	[smem:$0x3FAF] =	sst s1  }
0xa: {  	[smem:$0x3FB0] =	sst s2  }
0xb: {  	[smem:$0x3FB1] =	sst s3  }
0xc: {  	[smem:$0x3FB2] =	sst s4  }
0xd: {  	[smem:$0x3FB3] =	sst s5  }
0xe: {  	[smem:$0x3FB4] =	sst s6  }
0xf: {  	[smem:$0x3FB5] =	sst s7  }
0x10: {  	[smem:$0x3FB6] =	sst s8  }
0x11: {  	[smem:$0x3FB7] =	sst s9;
	s0 =	simm.s32 @!p0 $0x0  }
0x12: {  	s1 =	sld [smem:$0x3F9D];
	s0 =	simm.s32 @p0 $0x1  }
0x13: {  	[smem:$0x3FB8] =	sst s0;
	s0 =	simm.s32 @!p1 $0x0  }
0x14: {  	s2 =	sld [smem:$0x3F9C];
	s0 =	simm.s32 @p1 $0x1  }
0x15: {  	[smem:$0x3FB9] =	sst s0;
	s0 =	simm.s32 @!p2 $0x0  }
0x16: {  	s3 =	sld [smem:$0x3FDB];
	s0 =	simm.s32 @p2 $0x1  }
0x17: {  	s4 =	simm.s32 $0x1BF5;
	[smem:$0x3FBB] =	sst s0  }
0x18: {  	s0 =	sld [smem:$0x3F9E];
	_ =	swait.ge [sflag:s4], $0x0  }
0x19: {  	s7 =	sld [smem:$0x3F9F]  }
0x1a: {  	s8 =	sadd.s32 $0xFFFFE003, lr  }
0x1b: {  	s9 =	sadd.s32 $0xFFFFFEF7, lr;
	s5 =	simm.s32 $0xFFFFFFFF;
	p2 =	slt.u32 s8, $0xFFFFF086  }
0x1c: {  	p1 =	slt.u32 s9, $0xF7A;
	s5 =	simm.s32 @!p2 $0x0  }
0x1d: {  	s5 =	simm.s32 @p1 $0x1;
	p0 =	seq.s32 s7, s2  }
0x1e: {  	s7 =	smul.u32 @!p0 $0xF7A, s2;
	p2 =	seq.s32 @!p0 s5, $0x0  }
0x1f: {  	s9 =	smul.u32 $0xF7A, s1;
	s8 =	simm.s32 @!p0 $0x1BF5;
	p2 =	por !p2, p0  }
0x20: {  	[sflag:s8] =	ssyncset.s32 @!p0 $0xFFFFF086;
	s6 =	sadd.s32 @!p0 s3, s7;
	s7 =	simm.s32 @!p0 $0x108  }
0x21: {  	s3 =	sadd.s32 s3, s9;
	s6 =	sadd.s32 @!p0 $0x88, s6;
	s7 =	simm.s32 @p2 $0x1082  }
0x22: {  	[simem:s7], [sflag:s8] =	dma.local @!p0 [hbm:s6], $0xF7A  }
0x23: {  	s9 =	sor.u32 $0xD0000000, s2;
	s6 =	simm.s32 $0x108;
	_ =	swait.ge @!p0 [sflag:s8], $0x0  }
0x24: {  	s3 =	sadd.s32 $0x88, s3;
	s6 =	simm.s32 @!p1 $0x1082;
	[sflag:s4] =	ssyncset.s32 $0xFFFFF086  }
0x25: {  	[simem:s6], [sflag:s4] =	dma.local [hbm:s3], $0xF7A  }
0x26: {  	[smem:$0x3F9F] =	sst s1;
	(tag) =	ssettag s2;
	_ =	strace s9  }
0x27: {  	s1 =	sld [smem:$0x3FAF]  }
0x28: {  	s2 =	sld [smem:$0x3FB0]  }
0x29: {  	s4 =	sld [smem:$0x3FB2]  }
0x2a: {  	p0 =	seq.s32 s5, $0x0;
	s5 =	sld [smem:$0x3FB3]  }
0x2b: {  	s6 =	sld [smem:$0x3FB4]  }
0x2c: {  	s7 =	sld [smem:$0x3FB5]  }
0x2d: {  	s3 =	simm.s32 $0x108;
	s8 =	sld [smem:$0x3FB6]  }
0x2e: {  	s3 =	simm.s32 @!p0 $0x1082;
	s9 =	sld [smem:$0x3FB7]  }
0x2f: {  	lr =	sadd.s32 s0, s3;
	s0 =	sld [smem:$0x3FAE]  }
0x30: {  	s3 =	sld [smem:$0x3FB1]  }
0x31: {  	[smem:$0x3FBA] =	sst s10  }
0x32: {  	s10 =	sld [smem:$0x3FB8];
	_ =	sdelay $0x3  }
0x33: {  	p0 =	seq.s32 s10, $0x1;
	s10 =	sld [smem:$0x3FBA];
	_ =	sdelay $0x3  }
0x34: {  	[smem:$0x3FBA] =	sst s10  }
0x35: {  	s10 =	sld [smem:$0x3FB9];
	_ =	sdelay $0x3  }
0x36: {  	p1 =	seq.s32 s10, $0x1;
	s10 =	sld [smem:$0x3FBA];
	_ =	sdelay $0x3  }
0x37: {  	[smem:$0x3FBA] =	sst s10  }
0x38: {  	s10 =	sld [smem:$0x3FBB]  }
0x39: {  	_ = 	snop;
	(pc) =	sbr.ind lr, $3  }
0x3a: {  	_ = 	snop  }
0x3b: {  	_ = 	snop  }
0x3c: {  	p2 =	seq.s32 s10, $0x1;
	s10 =	sld [smem:$0x3FBA]  }
0x3d: {  	_ =	shalt  }
0x3e: {  	_ =	shalt  }
0x3f: {  	_ =	shalt  }
0x40: {  	_ =	shalt  }
0x41: {  	_ =	shalt  }
0x42: {  	_ =	shalt  }
0x43: {  	_ =	shalt  }
0x44: {  	_ =	shalt  }
0x45: {  	_ =	shalt  }
0x46: {  	_ =	shalt  }
0x47: {  	_ =	shalt  }
0x48: {  	_ =	shalt  }
0x49: {  	_ =	shalt  }
0x4a: {  	_ =	shalt  }
0x4b: {  	_ =	shalt  }
0x4c: {  	_ =	shalt  }
0x4d: {  	_ =	shalt  }
0x4e: {  	_ =	shalt  }
0x4f: {  	_ =	shalt  }
0x50: {  	_ =	shalt  }
0x51: {  	_ =	shalt  }
0x52: {  	_ =	shalt  }
0x53: {  	_ =	shalt  }
0x54: {  	_ =	shalt  }
0x55: {  	_ =	shalt  }
0x56: {  	_ =	shalt  }
0x57: {  	_ =	shalt  }
0x58: {  	_ =	shalt  }
0x59: {  	_ =	shalt  }
0x5a: {  	_ =	shalt  }
0x5b: {  	_ =	shalt  }
0x5c: {  	_ =	shalt  }
0x5d: {  	_ =	shalt  }
0x5e: {  	_ =	shalt  }
0x5f: {  	_ =	shalt  }
0x60: {  	_ =	shalt  }
0x61: {  	_ =	shalt  }
0x62: {  	_ =	shalt  }
0x63: {  	_ =	shalt  }
0x64: {  	_ =	shalt  }
0x65: {  	_ =	shalt  }
0x66: {  	_ =	shalt  }
0x67: {  	_ =	shalt  }
0x68: {  	_ =	shalt  }
0x69: {  	_ =	shalt  }
0x6a: {  	_ =	shalt  }
0x6b: {  	_ =	shalt  }
0x6c: {  	_ =	shalt  }
0x6d: {  	_ =	shalt  }
0x6e: {  	_ =	shalt  }
0x6f: {  	_ =	shalt  }
0x70: {  	_ =	shalt  }
0x71: {  	_ =	shalt  }
0x72: {  	_ =	shalt  }
0x73: {  	_ =	shalt  }
0x74: {  	_ =	shalt  }
0x75: {  	_ =	shalt  }
0x76: {  	_ =	shalt  }
0x77: {  	_ =	shalt  }
0x78: {  	_ =	shalt  }
0x79: {  	_ =	shalt  }
0x7a: {  	_ =	shalt  }
0x7b: {  	_ =	shalt  }
0x7c: {  	_ =	shalt  }
0x7d: {  	_ =	shalt  }
0x7e: {  	_ =	shalt  }
0x7f: {  	_ =	shalt  }
0x80: {  	_ =	shalt  }
0x81: {  	_ =	shalt  }
0x82: {  	_ =	shalt  }
0x83: {  	_ =	shalt  }
0x84: {  	_ =	shalt  }
0x85: {  	_ =	shalt  }
0x86: {  	_ =	shalt  }
0x87: {  	_ =	shalt  }
.Lfunc_end0:
.L_simem_size_0:
called_computation_lowered:
.L_overlay_start_0:
0x88: {  	s2 =	sld [smem:$0x3FD9]  }
0x89: {  	s3 =	sld [smem:$0x3FFE];
	_ =	sdelay $0x1  }
0x8a: {  	s1 =	srdreg.scid  }
0x8b: {  	s0 =	sand.u32 $0x1, s1  }
0x8c: {  	s16 =	sshll.u32 s0, $0xA;
	s2 =	sadd.s32 s3, s2  }
0x8d: {  	s2 =	sadd.s32 s2, s16  }
0x8e: {  	[smem:$0x3FC6] =	sst s2  }
0x8f: {  	_ = 	snop  }
0x90: {  	(tm) =	ssettm $0x1  }
0x91: {  	s17 =	sld [smem:$0x3FFB];
	_ =	sdelay $0x3  }
0x92: {  	_ =	strace s17  }
0x93: {  	s2 =	sld [smem:$0x3FFC];
	_ =	sdelay $0x3  }
0x94: {  	_ =	strace s2  }
0x95: {  	s2 =	sld [smem:$0x3FFD];
	_ =	sdelay $0x3  }
0x96: {  	_ =	strace s2  }
0x97: {  	_ =	strace $0x8FFFFFFF  }
0x98: {  	s18 =	sld [smem:$0x3FDB];
	_ =	sdelay $0x1  }
0x99: {  	s19 =	simm.s32 $_scs_section_size  }
0x9a: {  	s4 =	simm.s32 $_size__tile_overlayer_lowered;
	s5 =	simm.s32 $_tile_overlayer_lowered  }
0x9b: {  	s22 =	simm.s32 $0x1BFF;
	s21 =	sshll.u32 s5, $0x1;
	s2 =	sadd.s32 s19, s18  }
0x9c: {  	s6 =	simm.s32 $0x0;
	s20 =	sshll.u32 s4, $0x1;
	s4 =	sadd.s32 s21, s2  }
0x9d: {  	[timem:s6], [sflag:s22] =	dma.local [hbm:s4], s20  }
0x9e: {  	_ =	swait.ge [sflag:s22], s20  }
0x9f: {  	s3 =	ssub.s32 $0x0, s20;
	[sflag:s22] =	ssyncset.done $0x0  }
0xa0: {  	[sflag:s22] =	ssyncadd.s32 s3;
	_ =	sdelay $0x1  }
0xa1: {  	s23 =	simm.s32 $0x1B8B  }
0xa2: {  	_ =	swait.ge [sflag:s23], $0x1  }
0xa3: {  	[sflag:s23] =	ssyncset.done $0x0  }
0xa4: {  	s25 =	simm.s32 $0x1B8E;
	s24 =	sld [smem:$0x3FFE];
	[sflag:s23] =	ssyncadd.s32 $0xFFFFFFFF  }
0xa5: {  	s26 =	simm.s32 $execute0_lowered;
	[smem:$0x3FD2] =	sst s25  }
0xa6: {  	s4 =	sshll.u32 s26, $0x1;
	_ =	strace $0x80000046;
	[dreg:$0x1] =	wrdreg $0xFFFFFFFF  }
0xa7: {  	s28 =	simm.s32 $_size_execute0_lowered;
	s2 =	sadd.s32 s2, s4;
	[dreg:$0x0] =	wrdreg $0x0  }
0xa8: {  	s4 =	sshll.u32 s28, $0x1;
	[dreg:$0x2] =	wrdreg s2  }
0xa9: {  	[dreg:$0x3] =	wrdreg s4  }
0xaa: {  	[dreg:$0x4] =	wrdreg $0xC0  }
0xab: {  	_ =	task [dreg:s6], $0x5FFFF  }
0xac: {  	[dreg:$0x1] =	wrdreg $0xFFFFFFFF  }
0xad: {  	[dreg:$0x0] =	wrdreg $0x60  }
0xae: {  	[dreg:$0x2] =	wrdreg s24  }
0xaf: {  	[dreg:$0x3] =	wrdreg $0x9  }
0xb0: {  	_ =	task.clear_ibuf [dreg:s6], $0x4FFFF;
	_ =	strace $0x90000046  }
0xb1: {  	s29 =	simm.s32 $0x9;
	_ =	strace $0x80000048  }
0xb2: {  	_ =	swait.ge [sflag:s29], $0x1  }
0xb3: {  	[sflag:s29] =	ssyncadd.s32 $0xFFFFFFFF  }
0xb4: {  	_ =	strace $0x90000048  }
0xb5: {  	_ =	sfence  }
0xb6: {  	s30 =	sld [smem:$0x0];
	_ =	sdelay $0x2  }
0xb7: {  	s31 =	sshll.u32 s1, $0xD;
	s1 =	sshrl.u32 s1, $0x2  }
0xb8: {  	s3 =	sand.u32 $0x4000, s31;
	s1 =	sadd.s32 s1, s30  }
0xb9: {  	s0 =	sor.u32 s3, s0;
	s1 =	sshll.u32 s1, $0x11  }
0xba: {  	s0 =	sor.u32 s1, s0  }
0xbb: {  	s0 =	sadd.s32 $0x8F2B, s0  }
0xbc: {  	[sflag:s0] =	ssyncadd.remote.s32 $0x1  }
0xbd: {  	_ =	sfence.sel $0xFFFF  }
0xbe: {  	[dreg:$0x0] =	wrdreg $0xFFFFFFFF;
	(pc) =	sbr.abs _section_cstart, $3  }
0xbf: {  	[dreg:$0x1] =	wrdreg $0xFFFFFFFF  }
0xc0: {  	_ =	task.clear_ibuf [dreg:s6], $0x2FFFF;
	_ =	strace $0x9FFFFFFF  }
0xc1: {  	(tm) =	ssettm $0x7FFFFFFF  }
tec
execute0_lowered:
.L_overlay_start_1:
0x0: {  	(tag) =	ssettag $0x1  }
0x1: {  	s5 =	rddreg [dreg:$0x0]  }
0x2: {  	s0 =	rddreg [dreg:$0x1];
	s3 =	srdreg.scid  }
0x3: {  	s1 =	stileid.u32;
	s2 =	simm.s32 $0x0;
	s10 =	simm.s32 $0x80  }
0x4: {  	s11 =	simm.s32 $0x400;
	s12 =	simm.s32 $0x10000;
	s13 =	simm.s32 $0x14000  }
0x5: {  	s14 =	simm.s32 $0x1;
	s15 =	simm.s32 $0x4000;
	s16 =	simm.s32 $0x8000  }
0x6: {  	s17 =	simm.s32 $0xC000;
	s18 =	simm.s32 $0x2;
	s19 =	simm.s32 $0x3  }
0x7: {  	s20 =	simm.s32 $0x0;
	s6 =	sand.u32 $0x1, s3;
	s31 =	sshll.u32 s1, $0x1  }
0x8: {  	[smem:$0x7FF] =	sst s2;
	s8 =	sshll.u32 s1, $0xC;
	s7 =	sor.u32 s6, s31  }
0x9: {  	s4 =	sadd.s32 $0x200800, s5;
	s6 =	ssub.s32 $0x2, s6;
	s3 =	sshll.u32 s7, $0x4  }
0xa: {  	_ =	strace $0x80000047;
	s9 =	sshrl.u32 s6, $0x1;
	s8 =	sor.u32 s8, s3  }
0xb: {  	s7 =	sshll.u32 s7, $0xF;
	s9 =	ssub.s32 s6, s9;
	s8 =	sand.u32 $0xC070, s8  }
0xc: {  	s9 =	smax.u32 s9, $0x1;
	s8 =	sadd.s32 s8, s5;
	s5 =	sadd.s32 s4, s7  }
0xd: {  	v0 =	vimm.s32 $0x0;
	v1 =	vimm.f32 $0.0e+00;
	v2 =	vimm.s32 $0x1;
	s6 =	sadd.s32 $0x10, s5;
	s7 =	sadd.s32 $0x800, s8;
	s8 =	sadd.s32 $0x10800, s8  }
.LBB2_1:
0xe: {  	s21 =	simm.s32 $0x40  }
0xf: {  	s22 =	simm.s32 $0x8040;
	[tilespmem:s21+$0xFFFFFFC0] =	vst v0  }
0x10: {  	s25 =	simm.s32 $0x4040;
	[tilespmem:s22+$0xFFFFFFC0] =	vst v0  }
0x11: {  	s23 =	simm.s32 $0xC040;
	[tilespmem:s25+$0xFFFFFFC0] =	vst v1  }
0x12: {  	[tilespmem:s23+$0xFFFFFFC0] =	vst v1  }
0x13: {  	[tilespmem:s21+$0xFFFFFFD0] =	vst v0  }
0x14: {  	[tilespmem:s22+$0xFFFFFFD0] =	vst v0  }
0x15: {  	[tilespmem:s25+$0xFFFFFFD0] =	vst v1  }
0x16: {  	[tilespmem:s23+$0xFFFFFFD0] =	vst v1  }
0x17: {  	[tilespmem:s21+$0xFFFFFFE0] =	vst v0  }
0x18: {  	[tilespmem:s22+$0xFFFFFFE0] =	vst v0  }
0x19: {  	[tilespmem:s25+$0xFFFFFFE0] =	vst v1  }
0x1a: {  	[tilespmem:s23+$0xFFFFFFE0] =	vst v1  }
0x1b: {  	[tilespmem:s21+$0xFFFFFFF0] =	vst v0  }
0x1c: {  	[tilespmem:s22+$0xFFFFFFF0] =	vst v0  }
0x1d: {  	[tilespmem:s25+$0xFFFFFFF0] =	vst v1  }
0x1e: {  	[tilespmem:s23+$0xFFFFFFF0] =	vst v1  }
0x1f: {  	[tilespmem:s21+$0x0] =	vst v0  }
0x20: {  	[tilespmem:s22+$0x0] =	vst v0  }
0x21: {  	[tilespmem:s25+$0x0] =	vst v1  }
0x22: {  	[tilespmem:s23+$0x0] =	vst v1  }
0x23: {  	[tilespmem:s21+$0x10] =	vst v0  }
0x24: {  	[tilespmem:s22+$0x10] =	vst v0  }
0x25: {  	[tilespmem:s25+$0x10] =	vst v1  }
0x26: {  	[tilespmem:s23+$0x10] =	vst v1  }
0x27: {  	[tilespmem:s21+$0x20] =	vst v0  }
0x28: {  	[tilespmem:s22+$0x20] =	vst v0  }
0x29: {  	[tilespmem:s25+$0x20] =	vst v1  }
0x2a: {  	[tilespmem:s23+$0x20] =	vst v1  }
0x2b: {  	[tilespmem:s21+$0x30] =	vst v0  }
0x2c: {  	[tilespmem:s22+$0x30] =	vst v0  }
0x2d: {  	s24 =	simm.s32 $0x0;
	s26 =	simm.s32 $0xC0C0;
	[tilespmem:s25+$0x30] =	vst v1;
	s25 =	simm.s32 $0x40C0  }
.LBB2_2:
0x2e: {  	s24 =	sadd.s32 $0x8, s24;
	[tilespmem:s23+$0x30] =	vst v1;
	s21 =	sadd.s32 $0x80, s21;
	s22 =	sadd.s32 $0x80, s22  }
0x2f: {  	s23 =	smov.u32 s26;
	[tilespmem:s21+$0xFFFFFFC0] =	vst v0;
	p0 =	slt.u32 s24, $0x3F8  }
0x30: {  	[tilespmem:s22+$0xFFFFFFC0] =	vst v0  }
0x31: {  	[tilespmem:s25+$0xFFFFFFC0] =	vst v1  }
0x32: {  	[tilespmem:s26+$0xFFFFFFC0] =	vst v1  }
0x33: {  	[tilespmem:s21+$0xFFFFFFD0] =	vst v0  }
0x34: {  	[tilespmem:s22+$0xFFFFFFD0] =	vst v0  }
0x35: {  	[tilespmem:s25+$0xFFFFFFD0] =	vst v1  }
0x36: {  	[tilespmem:s26+$0xFFFFFFD0] =	vst v1  }
0x37: {  	[tilespmem:s21+$0xFFFFFFE0] =	vst v0  }
0x38: {  	[tilespmem:s22+$0xFFFFFFE0] =	vst v0  }
0x39: {  	[tilespmem:s25+$0xFFFFFFE0] =	vst v1  }
0x3a: {  	[tilespmem:s26+$0xFFFFFFE0] =	vst v1  }
0x3b: {  	[tilespmem:s21+$0xFFFFFFF0] =	vst v0  }
0x3c: {  	[tilespmem:s22+$0xFFFFFFF0] =	vst v0  }
0x3d: {  	[tilespmem:s25+$0xFFFFFFF0] =	vst v1  }
0x3e: {  	[tilespmem:s26+$0xFFFFFFF0] =	vst v1  }
0x3f: {  	[tilespmem:s21+$0x0] =	vst v0  }
0x40: {  	[tilespmem:s22+$0x0] =	vst v0  }
0x41: {  	[tilespmem:s25+$0x0] =	vst v1  }
0x42: {  	[tilespmem:s26+$0x0] =	vst v1  }
0x43: {  	[tilespmem:s21+$0x10] =	vst v0  }
0x44: {  	[tilespmem:s22+$0x10] =	vst v0  }
0x45: {  	[tilespmem:s25+$0x10] =	vst v1  }
0x46: {  	[tilespmem:s26+$0x10] =	vst v1  }
0x47: {  	[tilespmem:s21+$0x20] =	vst v0  }
0x48: {  	[tilespmem:s22+$0x20] =	vst v0  }
.Ltmp0:
0x49: {  	[tilespmem:s25+$0x20] =	vst v1;
	(pc) =	sbr.rel @p0 .LBB2_2-.Ltmp0, $4  }
0x4a: {  	[tilespmem:s26+$0x20] =	vst v1  }
0x4b: {  	[tilespmem:s21+$0x30] =	vst v0  }
0x4c: {  	[tilespmem:s22+$0x30] =	vst v0  }
0x4d: {  	s26 =	sadd.s32 $0x80, s26;
	[tilespmem:s25+$0x30] =	vst v1;
	s25 =	sadd.s32 $0x80, s25  }
0x4e: {  	[tilespmem:s23+$0x30] =	vst v1  }
0x4f: {  	[tilespmem:s12], [sflag:$0x1] =	stream.strided.gather [hbm4b:s5+s10], $0x4000, s11, s10, $0x38;
	[tilespmem:$0x18000] =	vst v63  }
0x50: {  	s21 =	simm.s32 $0x0  }
0x51: {  	[tilespmem:s13], [sflag:$0x2] =	stream.strided.gather [hbm4b:s6+s10], $0x4000, s11, s10, $0x38;
	[tilespmem:$0x18000] =	vst v63  }
.LBB2_4:
0x52: {  	_ =	swait.ge [sflag:s14], $0x4000  }
0x53: {  	[sflag:s14] =	ssyncset.done $0x0  }
0x54: {  	s22 =	simm.s32 $0xFFFFFFFE;
	s23 =	simm.s32 $0x10040;
	[sflag:s14] =	ssyncadd.s32 $0xFFFFC000  }
.LBB2_5:
0x55: {  	v3 =	vld [tilespmem:s23+$0xFFFFFFC0];
	_ =	sdelay $0x4  }
0x56: {  	v4 =	vshrl.u32 v3, $0x11  }
0x57: {  	v4 =	vmin.u32 v4, $0x3FFF;
	_ =	sdelay $0x4  }
0x58: {  	[tilespmem:v4+s2+$0x0] =	vst.idx.add.s32.msk $0xffff, v2  }
0x59: {  	[tilespmem:v4+s15+$0x0] =	vst.idx.add.f32.msk $0xffff, v3  }
0x5a: {  	v3 =	vld [tilespmem:s23+$0xFFFFFFD0];
	_ =	sdelay $0x4  }
0x5b: {  	v57 =	vshrl.u32 v3, $0x11  }
0x5c: {  	v4 =	vmin.u32 v57, $0x3FFF;
	_ =	sdelay $0x4  }
0x5d: {  	[tilespmem:v4+s16+$0x0] =	vst.idx.add.s32.msk $0xffff, v2  }
0x5e: {  	[tilespmem:v4+s17+$0x0] =	vst.idx.add.f32.msk $0xffff, v3  }
0x5f: {  	v3 =	vld [tilespmem:s23+$0xFFFFFFE0];
	_ =	sdelay $0x4  }
0x60: {  	v58 =	vshrl.u32 v3, $0x11  }
0x61: {  	v4 =	vmin.u32 v58, $0x3FFF;
	_ =	sdelay $0x4  }
0x62: {  	[tilespmem:v4+s2+$0x0] =	vst.idx.add.s32.msk $0xffff, v2  }
0x63: {  	[tilespmem:v4+s15+$0x0] =	vst.idx.add.f32.msk $0xffff, v3  }
0x64: {  	v3 =	vld [tilespmem:s23+$0xFFFFFFF0];
	_ =	sdelay $0x4  }
0x65: {  	v59 =	vshrl.u32 v3, $0x11  }
0x66: {  	v4 =	vmin.u32 v59, $0x3FFF;
	_ =	sdelay $0x4  }
0x67: {  	[tilespmem:v4+s16+$0x0] =	vst.idx.add.s32.msk $0xffff, v2  }
0x68: {  	[tilespmem:v4+s17+$0x0] =	vst.idx.add.f32.msk $0xffff, v3  }
0x69: {  	v3 =	vld [tilespmem:s23+$0x0];
	_ =	sdelay $0x4  }
0x6a: {  	v60 =	vshrl.u32 v3, $0x11  }
0x6b: {  	v4 =	vmin.u32 v60, $0x3FFF;
	_ =	sdelay $0x4  }
0x6c: {  	[tilespmem:v4+s2+$0x0] =	vst.idx.add.s32.msk $0xffff, v2  }
0x6d: {  	[tilespmem:v4+s15+$0x0] =	vst.idx.add.f32.msk $0xffff, v3  }
0x6e: {  	v3 =	vld [tilespmem:s23+$0x10];
	_ =	sdelay $0x4  }
0x6f: {  	v61 =	vshrl.u32 v3, $0x11  }
0x70: {  	v4 =	vmin.u32 v61, $0x3FFF;
	_ =	sdelay $0x4  }
0x71: {  	[tilespmem:v4+s16+$0x0] =	vst.idx.add.s32.msk $0xffff, v2  }
0x72: {  	[tilespmem:v4+s17+$0x0] =	vst.idx.add.f32.msk $0xffff, v3  }
0x73: {  	v3 =	vld [tilespmem:s23+$0x20];
	_ =	sdelay $0x4  }
0x74: {  	v62 =	vshrl.u32 v3, $0x11  }
0x75: {  	v4 =	vmin.u32 v62, $0x3FFF;
	_ =	sdelay $0x4  }
0x76: {  	[tilespmem:v4+s2+$0x0] =	vst.idx.add.s32.msk $0xffff, v2  }
0x77: {  	[tilespmem:v4+s15+$0x0] =	vst.idx.add.f32.msk $0xffff, v3  }
0x78: {  	v3 =	vld [tilespmem:s23+$0x30];
	_ =	sdelay $0x4  }
0x79: {  	v63 =	vshrl.u32 v3, $0x11  }
0x7a: {  	s22 =	sadd.s32 $0x2, s22;
	v4 =	vmin.u32 v63, $0x3FFF  }
0x7b: {  	p0 =	slt.u32 s22, $0xFE  }
.Ltmp1:
0x7c: {  	_ = 	snop;
	(pc) =	sbr.rel @p0 .LBB2_5-.Ltmp1, $3  }
0x7d: {  	_ =	sdelay $0x1  }
0x7e: {  	[tilespmem:v4+s16+$0x0] =	vst.idx.add.s32.msk $0xffff, v2  }
0x7f: {  	s23 =	sadd.s32 $0x80, s23;
	[tilespmem:v4+s17+$0x0] =	vst.idx.add.f32.msk $0xffff, v3  }
0x80: {  	s22 =	sshll.u32 s21, $0x1  }
0x81: {  	s22 =	smin.u32 s22, $0xC  }
0x82: {  	s23 =	sadd.s32 $0x2, s22  }
0x83: {  	s24 =	sadd.s32 s3, s23;
	s23 =	sshll.u32 s23, $0x4  }
0x84: {  	s24 =	sshll.u32 s24, $0xB;
	s23 =	sand.u32 $0x60, s23  }
0x85: {  	s24 =	sand.u32 $0x1FC000, s24;
	s23 =	sadd.s32 s4, s23  }
0x86: {  	s23 =	sadd.s32 s24, s23  }
0x87: {  	[tilespmem:s12], [sflag:$0x1] =	stream.strided.gather [hbm4b:s23+s10], $0x4000, s11, s10, $0x38;
	[tilespmem:$0x18000] =	vst v63  }
0x88: {  	_ =	swait.ge [sflag:s18], $0x4000  }
0x89: {  	[sflag:s18] =	ssyncset.done $0x0  }
0x8a: {  	s24 =	simm.s32 $0x14040;
	s23 =	simm.s32 $0xFFFFFFFE;
	[sflag:s18] =	ssyncadd.s32 $0xFFFFC000  }
.LBB2_7:
0x8b: {  	v3 =	vld [tilespmem:s24+$0xFFFFFFC0];
	_ =	sdelay $0x4  }
0x8c: {  	v4 =	vshrl.u32 v3, $0x11  }
0x8d: {  	v4 =	vmin.u32 v4, $0x3FFF;
	_ =	sdelay $0x4  }
0x8e: {  	[tilespmem:v4+s2+$0x0] =	vst.idx.add.s32.msk $0xffff, v2  }
0x8f: {  	[tilespmem:v4+s15+$0x0] =	vst.idx.add.f32.msk $0xffff, v3  }
0x90: {  	v3 =	vld [tilespmem:s24+$0xFFFFFFD0];
	_ =	sdelay $0x4  }
0x91: {  	v57 =	vshrl.u32 v3, $0x11  }
0x92: {  	v4 =	vmin.u32 v57, $0x3FFF;
	_ =	sdelay $0x4  }
0x93: {  	[tilespmem:v4+s16+$0x0] =	vst.idx.add.s32.msk $0xffff, v2  }
0x94: {  	[tilespmem:v4+s17+$0x0] =	vst.idx.add.f32.msk $0xffff, v3  }
0x95: {  	v3 =	vld [tilespmem:s24+$0xFFFFFFE0];
	_ =	sdelay $0x4  }
0x96: {  	v58 =	vshrl.u32 v3, $0x11  }
0x97: {  	v4 =	vmin.u32 v58, $0x3FFF;
	_ =	sdelay $0x4  }
0x98: {  	[tilespmem:v4+s2+$0x0] =	vst.idx.add.s32.msk $0xffff, v2  }
0x99: {  	[tilespmem:v4+s15+$0x0] =	vst.idx.add.f32.msk $0xffff, v3  }
0x9a: {  	v3 =	vld [tilespmem:s24+$0xFFFFFFF0];
	_ =	sdelay $0x4  }
0x9b: {  	v59 =	vshrl.u32 v3, $0x11  }
0x9c: {  	v4 =	vmin.u32 v59, $0x3FFF;
	_ =	sdelay $0x4  }
0x9d: {  	[tilespmem:v4+s16+$0x0] =	vst.idx.add.s32.msk $0xffff, v2  }
0x9e: {  	[tilespmem:v4+s17+$0x0] =	vst.idx.add.f32.msk $0xffff, v3  }
0x9f: {  	v3 =	vld [tilespmem:s24+$0x0];
	_ =	sdelay $0x4  }
0xa0: {  	v60 =	vshrl.u32 v3, $0x11  }
0xa1: {  	v4 =	vmin.u32 v60, $0x3FFF;
	_ =	sdelay $0x4  }
0xa2: {  	[tilespmem:v4+s2+$0x0] =	vst.idx.add.s32.msk $0xffff, v2  }
0xa3: {  	[tilespmem:v4+s15+$0x0] =	vst.idx.add.f32.msk $0xffff, v3  }
0xa4: {  	v3 =	vld [tilespmem:s24+$0x10];
	_ =	sdelay $0x4  }
0xa5: {  	v61 =	vshrl.u32 v3, $0x11  }
0xa6: {  	v4 =	vmin.u32 v61, $0x3FFF;
	_ =	sdelay $0x4  }
0xa7: {  	[tilespmem:v4+s16+$0x0] =	vst.idx.add.s32.msk $0xffff, v2  }
0xa8: {  	[tilespmem:v4+s17+$0x0] =	vst.idx.add.f32.msk $0xffff, v3  }
0xa9: {  	v3 =	vld [tilespmem:s24+$0x20];
	_ =	sdelay $0x4  }
0xaa: {  	v62 =	vshrl.u32 v3, $0x11  }
0xab: {  	v4 =	vmin.u32 v62, $0x3FFF;
	_ =	sdelay $0x4  }
0xac: {  	[tilespmem:v4+s2+$0x0] =	vst.idx.add.s32.msk $0xffff, v2  }
0xad: {  	[tilespmem:v4+s15+$0x0] =	vst.idx.add.f32.msk $0xffff, v3  }
0xae: {  	v3 =	vld [tilespmem:s24+$0x30];
	_ =	sdelay $0x4  }
0xaf: {  	v63 =	vshrl.u32 v3, $0x11  }
0xb0: {  	s23 =	sadd.s32 $0x2, s23;
	v4 =	vmin.u32 v63, $0x3FFF  }
0xb1: {  	p0 =	slt.u32 s23, $0xFE  }
.Ltmp2:
0xb2: {  	_ = 	snop;
	(pc) =	sbr.rel @p0 .LBB2_7-.Ltmp2, $3  }
0xb3: {  	_ =	sdelay $0x1  }
0xb4: {  	[tilespmem:v4+s16+$0x0] =	vst.idx.add.s32.msk $0xffff, v2  }
0xb5: {  	s24 =	sadd.s32 $0x80, s24;
	[tilespmem:v4+s17+$0x0] =	vst.idx.add.f32.msk $0xffff, v3  }
0xb6: {  	s21 =	sadd.s32 $0x1, s21  }
0xb7: {  	s22 =	sadd.s32 $0x3, s22;
	p0 =	sne.s32 s21, $0x8  }
.Ltmp3:
0xb8: {  	s23 =	sadd.s32 s3, s22;
	s22 =	sshll.u32 s22, $0x4;
	(pc) =	sbr.rel @p0 .LBB2_4-.Ltmp3, $4  }
0xb9: {  	s23 =	sshll.u32 s23, $0xB;
	s22 =	sand.u32 $0x70, s22  }
0xba: {  	s23 =	sand.u32 $0x1FC000, s23;
	s22 =	sadd.s32 s4, s22  }
0xbb: {  	s22 =	sadd.s32 s23, s22  }
0xbc: {  	[tilespmem:s13], [sflag:$0x2] =	stream.strided.gather [hbm4b:s22+s10], $0x4000, s11, s10, $0x38;
	[tilespmem:$0x18000] =	vst v63  }
0xbd: {  	_ =	swait.ge [sflag:s14], $0x4000  }
0xbe: {  	[sflag:s14] =	ssyncset.done $0x0  }
0xbf: {  	[sflag:s14] =	ssyncadd.s32 $0xFFFFC000  }
0xc0: {  	_ =	swait.ge [sflag:s18], $0x4000  }
0xc1: {  	[sflag:s18] =	ssyncset.done $0x0  }
0xc2: {  	s22 =	simm.s32 $0x40;
	[sflag:s18] =	ssyncadd.s32 $0xFFFFC000  }
0xc3: {  	s21 =	simm.s32 $0x8040;
	v3 =	vld [tilespmem:s22+$0xFFFFFFC0]  }
0xc4: {  	v4 =	vld [tilespmem:s21+$0xFFFFFFC0];
	_ =	sdelay $0x4  }
0xc5: {  	v3 =	vadd.s32 v3, v4  }
0xc6: {  	s24 =	simm.s32 $0xC040;
	[tilespmem:s22+$0xFFFFFFC0] =	vst v3  }
0xc7: {  	s23 =	simm.s32 $0x4040;
	v3 =	vld [tilespmem:s24+$0xFFFFFFC0]  }
0xc8: {  	v4 =	vld [tilespmem:s23+$0xFFFFFFC0];
	_ =	sdelay $0x4  }
0xc9: {  	v3 =	vadd.f32 v3, v4;
	_ =	sdelay $0x1  }
0xca: {  	[tilespmem:s23+$0xFFFFFFC0] =	vst v3  }
0xcb: {  	v3 =	vld [tilespmem:s22+$0xFFFFFFD0]  }
0xcc: {  	v4 =	vld [tilespmem:s21+$0xFFFFFFD0];
	_ =	sdelay $0x4  }
0xcd: {  	v3 =	vadd.s32 v3, v4  }
0xce: {  	[tilespmem:s22+$0xFFFFFFD0] =	vst v3  }
0xcf: {  	v3 =	vld [tilespmem:s23+$0xFFFFFFD0]  }
0xd0: {  	v4 =	vld [tilespmem:s24+$0xFFFFFFD0];
	_ =	sdelay $0x4  }
0xd1: {  	v3 =	vadd.f32 v4, v3;
	_ =	sdelay $0x1  }
0xd2: {  	[tilespmem:s23+$0xFFFFFFD0] =	vst v3  }
0xd3: {  	v3 =	vld [tilespmem:s22+$0xFFFFFFE0]  }
0xd4: {  	v4 =	vld [tilespmem:s21+$0xFFFFFFE0];
	_ =	sdelay $0x4  }
0xd5: {  	v3 =	vadd.s32 v3, v4  }
0xd6: {  	[tilespmem:s22+$0xFFFFFFE0] =	vst v3  }
0xd7: {  	v3 =	vld [tilespmem:s23+$0xFFFFFFE0]  }
0xd8: {  	v4 =	vld [tilespmem:s24+$0xFFFFFFE0];
	_ =	sdelay $0x4  }
0xd9: {  	v3 =	vadd.f32 v4, v3;
	_ =	sdelay $0x1  }
0xda: {  	[tilespmem:s23+$0xFFFFFFE0] =	vst v3  }
0xdb: {  	v3 =	vld [tilespmem:s22+$0xFFFFFFF0]  }
0xdc: {  	v4 =	vld [tilespmem:s21+$0xFFFFFFF0];
	_ =	sdelay $0x4  }
0xdd: {  	v3 =	vadd.s32 v3, v4  }
0xde: {  	[tilespmem:s22+$0xFFFFFFF0] =	vst v3  }
0xdf: {  	v3 =	vld [tilespmem:s23+$0xFFFFFFF0]  }
0xe0: {  	v4 =	vld [tilespmem:s24+$0xFFFFFFF0];
	_ =	sdelay $0x4  }
0xe1: {  	v3 =	vadd.f32 v4, v3;
	_ =	sdelay $0x1  }
0xe2: {  	[tilespmem:s23+$0xFFFFFFF0] =	vst v3  }
0xe3: {  	v3 =	vld [tilespmem:s22+$0x0]  }
0xe4: {  	v4 =	vld [tilespmem:s21+$0x0];
	_ =	sdelay $0x4  }
0xe5: {  	v3 =	vadd.s32 v3, v4  }
0xe6: {  	[tilespmem:s22+$0x0] =	vst v3  }
0xe7: {  	v3 =	vld [tilespmem:s23+$0x0]  }
0xe8: {  	v4 =	vld [tilespmem:s24+$0x0];
	_ =	sdelay $0x4  }
0xe9: {  	v3 =	vadd.f32 v4, v3;
	_ =	sdelay $0x1  }
0xea: {  	[tilespmem:s23+$0x0] =	vst v3  }
0xeb: {  	v3 =	vld [tilespmem:s22+$0x10]  }
0xec: {  	v4 =	vld [tilespmem:s21+$0x10];
	_ =	sdelay $0x4  }
0xed: {  	v3 =	vadd.s32 v3, v4  }
0xee: {  	[tilespmem:s22+$0x10] =	vst v3  }
0xef: {  	v3 =	vld [tilespmem:s23+$0x10]  }
0xf0: {  	v4 =	vld [tilespmem:s24+$0x10];
	_ =	sdelay $0x4  }
0xf1: {  	v3 =	vadd.f32 v4, v3;
	_ =	sdelay $0x1  }
0xf2: {  	[tilespmem:s23+$0x10] =	vst v3  }
0xf3: {  	v3 =	vld [tilespmem:s22+$0x20]  }
0xf4: {  	v4 =	vld [tilespmem:s21+$0x20];
	_ =	sdelay $0x4  }
0xf5: {  	v3 =	vadd.s32 v3, v4  }
0xf6: {  	[tilespmem:s22+$0x20] =	vst v3  }
0xf7: {  	v3 =	vld [tilespmem:s23+$0x20]  }
0xf8: {  	v4 =	vld [tilespmem:s24+$0x20];
	_ =	sdelay $0x4  }
0xf9: {  	v3 =	vadd.f32 v4, v3;
	_ =	sdelay $0x1  }
0xfa: {  	s25 =	simm.s32 $0x0;
	[tilespmem:s23+$0x20] =	vst v3  }
0xfb: {  	s28 =	simm.s32 $0x40C0;
	s29 =	simm.s32 $0xC0C0;
	s26 =	simm.s32 $0x40;
	v3 =	vld [tilespmem:s22+$0x30]  }
.LBB2_10:
0xfc: {  	s25 =	sadd.s32 $0x8, s25;
	v4 =	vld [tilespmem:s21+$0x30];
	s22 =	sadd.s32 $0x80, s22;
	s21 =	sadd.s32 $0x80, s21  }
0xfd: {  	p0 =	slt.u32 s25, $0x3F8;
	_ =	sdelay $0x3  }
0xfe: {  	v3 =	vadd.s32 v3, v4  }
0xff: {  	[tilespmem:s26+$0x30] =	vst v3;
	s26 =	smov.u32 s22  }
0x100: {  	v3 =	vld [tilespmem:s23+$0x30]  }
0x101: {  	v4 =	vld [tilespmem:s24+$0x30];
	s24 =	smov.u32 s29;
	_ =	sdelay $0x4  }
0x102: {  	v3 =	vadd.f32 v4, v3;
	_ =	sdelay $0x1  }
0x103: {  	[tilespmem:s23+$0x30] =	vst v3;
	s23 =	smov.u32 s28  }
0x104: {  	v3 =	vld [tilespmem:s22+$0xFFFFFFC0]  }
0x105: {  	v4 =	vld [tilespmem:s21+$0xFFFFFFC0];
	_ =	sdelay $0x4  }
0x106: {  	v3 =	vadd.s32 v3, v4  }
0x107: {  	[tilespmem:s22+$0xFFFFFFC0] =	vst v3  }
0x108: {  	v3 =	vld [tilespmem:s29+$0xFFFFFFC0]  }
0x109: {  	v4 =	vld [tilespmem:s28+$0xFFFFFFC0];
	_ =	sdelay $0x4  }
0x10a: {  	v3 =	vadd.f32 v3, v4;
	_ =	sdelay $0x1  }
0x10b: {  	[tilespmem:s28+$0xFFFFFFC0] =	vst v3  }
0x10c: {  	v3 =	vld [tilespmem:s22+$0xFFFFFFD0]  }
0x10d: {  	v4 =	vld [tilespmem:s21+$0xFFFFFFD0];
	_ =	sdelay $0x4  }
0x10e: {  	v3 =	vadd.s32 v3, v4  }
0x10f: {  	[tilespmem:s22+$0xFFFFFFD0] =	vst v3  }
0x110: {  	v3 =	vld [tilespmem:s28+$0xFFFFFFD0]  }
0x111: {  	v4 =	vld [tilespmem:s29+$0xFFFFFFD0];
	_ =	sdelay $0x4  }
0x112: {  	v3 =	vadd.f32 v4, v3;
	_ =	sdelay $0x1  }
0x113: {  	[tilespmem:s28+$0xFFFFFFD0] =	vst v3  }
0x114: {  	v3 =	vld [tilespmem:s22+$0xFFFFFFE0]  }
0x115: {  	v4 =	vld [tilespmem:s21+$0xFFFFFFE0];
	_ =	sdelay $0x4  }
0x116: {  	v3 =	vadd.s32 v3, v4  }
0x117: {  	[tilespmem:s22+$0xFFFFFFE0] =	vst v3  }
0x118: {  	v3 =	vld [tilespmem:s28+$0xFFFFFFE0]  }
0x119: {  	v4 =	vld [tilespmem:s29+$0xFFFFFFE0];
	_ =	sdelay $0x4  }
0x11a: {  	v3 =	vadd.f32 v4, v3;
	_ =	sdelay $0x1  }
0x11b: {  	[tilespmem:s28+$0xFFFFFFE0] =	vst v3  }
0x11c: {  	v3 =	vld [tilespmem:s22+$0xFFFFFFF0]  }
0x11d: {  	v4 =	vld [tilespmem:s21+$0xFFFFFFF0];
	_ =	sdelay $0x4  }
0x11e: {  	v3 =	vadd.s32 v3, v4  }
0x11f: {  	[tilespmem:s22+$0xFFFFFFF0] =	vst v3  }
0x120: {  	v3 =	vld [tilespmem:s28+$0xFFFFFFF0]  }
0x121: {  	v4 =	vld [tilespmem:s29+$0xFFFFFFF0];
	_ =	sdelay $0x4  }
0x122: {  	v3 =	vadd.f32 v4, v3;
	_ =	sdelay $0x1  }
0x123: {  	[tilespmem:s28+$0xFFFFFFF0] =	vst v3  }
0x124: {  	v3 =	vld [tilespmem:s22+$0x0]  }
0x125: {  	v4 =	vld [tilespmem:s21+$0x0];
	_ =	sdelay $0x4  }
0x126: {  	v3 =	vadd.s32 v3, v4  }
0x127: {  	[tilespmem:s22+$0x0] =	vst v3  }
0x128: {  	v3 =	vld [tilespmem:s28+$0x0]  }
0x129: {  	v4 =	vld [tilespmem:s29+$0x0];
	_ =	sdelay $0x4  }
0x12a: {  	v3 =	vadd.f32 v4, v3;
	_ =	sdelay $0x1  }
0x12b: {  	[tilespmem:s28+$0x0] =	vst v3  }
0x12c: {  	v3 =	vld [tilespmem:s22+$0x10]  }
0x12d: {  	v4 =	vld [tilespmem:s21+$0x10];
	_ =	sdelay $0x4  }
0x12e: {  	v3 =	vadd.s32 v3, v4  }
0x12f: {  	[tilespmem:s22+$0x10] =	vst v3  }
0x130: {  	v3 =	vld [tilespmem:s28+$0x10]  }
0x131: {  	v4 =	vld [tilespmem:s29+$0x10];
	_ =	sdelay $0x4  }
0x132: {  	v3 =	vadd.f32 v4, v3;
	_ =	sdelay $0x1  }
0x133: {  	[tilespmem:s28+$0x10] =	vst v3  }
0x134: {  	v3 =	vld [tilespmem:s22+$0x20]  }
0x135: {  	v4 =	vld [tilespmem:s21+$0x20];
	_ =	sdelay $0x4  }
0x136: {  	v3 =	vadd.s32 v3, v4  }
0x137: {  	[tilespmem:s22+$0x20] =	vst v3  }
0x138: {  	v3 =	vld [tilespmem:s28+$0x20]  }
0x139: {  	v4 =	vld [tilespmem:s29+$0x20];
	_ =	sdelay $0x3  }
.Ltmp4:
0x13a: {  	(pc) =	sbr.rel @p0 .LBB2_10-.Ltmp4, $3  }
0x13b: {  	v3 =	vadd.f32 v4, v3;
	_ =	sdelay $0x1  }
0x13c: {  	[tilespmem:s28+$0x20] =	vst v3  }
0x13d: {  	s29 =	sadd.s32 $0x80, s29;
	s28 =	sadd.s32 $0x80, s28;
	v3 =	vld [tilespmem:s22+$0x30]  }
0x13e: {  	v4 =	vld [tilespmem:s21+$0x30];
	_ =	sdelay $0x4  }
0x13f: {  	v3 =	vadd.s32 v3, v4  }
0x140: {  	[tilespmem:s26+$0x30] =	vst v3  }
0x141: {  	v3 =	vld [tilespmem:s23+$0x30]  }
0x142: {  	v63 =	vld [tilespmem:s24+$0x30];
	_ =	sdelay $0x4  }
0x143: {  	v3 =	vadd.f32 v63, v3;
	_ =	sdelay $0x1  }
0x144: {  	[tilespmem:s23+$0x30] =	vst v3  }
0x145: {  	[hbm4b:s7+s10] =	stream.strided.scatter [tilespmem:s2], [sflag:$0x3], $0x4000, s11, s10, $0x38;
	[tilespmem:$0x18000] =	vst v63  }
0x146: {  	s20 =	sadd.s32 $0x1, s20;
	_ =	swait.ge [sflag:s19], $0x4000  }
0x147: {  	p0 =	sne.s32 s20, s9;
	[sflag:s19] =	ssyncset.done $0x0  }
.Ltmp5:
0x148: {  	[sflag:s19] =	ssyncadd.s32 $0xFFFFC000;
	(pc) =	sbr.rel @p0 .LBB2_1-.Ltmp5, $4  }
0x149: {  	[hbm4b:s8+s10] =	stream.strided.scatter [tilespmem:s15], [sflag:$0x3], $0x4000, s11, s10, $0x38;
	[tilespmem:$0x18000] =	vst v63  }
0x14a: {  	_ =	swait.ge [sflag:s19], $0x4000  }
0x14b: {  	[sflag:s19] =	ssyncset.done $0x0  }
0x14c: {  	[sflag:s19] =	ssyncadd.s32 $0xFFFFC000  }
0x14d: {  	_ =	sfence.sel $0x180000  }
0x14e: {  	[bflag:$0x0] =	sbarrier.arrive $0xFFFF  }
0x14f: {  	p0 =	sne.s32 s1, $0x0;
	_ =	strace $0x90000047  }
0x150: {  	s0 =	sadd.s32 @!p0 $0x100000, s0;
	[bflag:$0x2] =	sbarrier.arrive $0xFFFF  }
0x151: {  	[sflag:s0] =	ssyncadd.tile.s32 @!p0 $0x1;
	_ =	shalt  }
.Lfunc_end2:
_tile_overlayer_lowered:
.L_overlay_start_2:
0x152: {  	(tag) =	ssettag $0x2  }
0x153: {  	s0 =	rddreg [dreg:$0x0];
	s2 =	stileid.u32  }
0x154: {  	s1 =	rddreg [dreg:$0x1];
	p0 =	sne.s32 s2, $0x0  }
0x155: {  	s3 =	rddreg [dreg:$0x2];
	[bflag:$0x3] =	sbarrier.arrive $0xFFFF;
	s2 =	simm.s32 @!p0 $0x1C03  }
0x156: {  	[timem:s3], [sflag:s2] =	dma.local @!p0 [hbm:s0], s1  }
0x157: {  	s0 =	simm.s32 @!p0 $0x3  }
0x158: {  	_ =	swait.ge @!p0 [sflag:s0], s1  }
0x159: {  	s1 =	ssub.s32 @!p0 $0x0, s1;
	[sflag:s0] =	ssyncset.done @!p0 $0x0  }
0x15a: {  	[sflag:s0] =	ssyncadd.s32 @!p0 s1  }
0x15b: {  	[bflag:$0x3] =	sbarrier.arrive $0xFFFF  }
0x15c: {  	_ =	shalt  }

</sc_bundles>
